<compile_context>
chip_gen: v7x
topology: tpu7x:2x2x1
jax: 0.10.2.dev20260603
libtpu: 0.0.44.dev20260713+nightly
codegen_flags: <defaults>
</compile_context>

<pallas_src>
import functools

import jax
import jax.numpy as jnp
from jax import lax
from jax.experimental import pallas as pl
from jax.experimental.pallas import tpu as pltpu
from jax.experimental.pallas import tpu_sc as plsc

N_TOKENS = 32768
INPUT_DIM = 768
QUERY_DIM = 128
K_EXPERTS = 64
TOP_K = 2

TILE = 4096

NC = 2
NS = 16
L = 16
NW = NC * NS
ROWS_PER_W = N_TOKENS // NW
CH = 256
IDX_PAD = 16


def _logits_kernel(x_ref, w_ref, b_ref, keys_ref, out_ref):
    query = jax.lax.dot_general(
        x_ref[...], w_ref[...], (((1,), (0,)), ((), ())),
        preferred_element_type=jnp.float32,
    ) + b_ref[...]
    out_ref[...] = jax.lax.dot_general(
        query, keys_ref[...], (((1,), (1,)), ((), ())),
        preferred_element_type=jnp.float32,
    ) / jnp.sqrt(jnp.float32(QUERY_DIM))


_mesh = plsc.VectorSubcoreMesh(core_axis_name="c", subcore_axis_name="s")


@functools.partial(
    pl.kernel,
    mesh=_mesh,
    out_type=(
        jax.ShapeDtypeStruct((N_TOKENS, K_EXPERTS), jnp.float32),
        jax.ShapeDtypeStruct((N_TOKENS, IDX_PAD), jnp.int32),
    ),
    scratch_types=[
        pltpu.VMEM((CH, K_EXPERTS), jnp.float32),
        pltpu.VMEM((CH, K_EXPERTS), jnp.float32),
        pltpu.VMEM((CH, IDX_PAD), jnp.int32),
    ],
)
def _sc_top2(logits_hbm, probs_hbm, idx_hbm, lg_v, pr_v, ix_v):
    wid = lax.axis_index("s") * NC + lax.axis_index("c")
    base = wid * ROWS_PER_W
    iota = lax.iota(jnp.int32, 16)
    neg = jnp.float32(-3.0e38)
    big = jnp.int32(K_EXPERTS)

    def chunk_body(c, carry):
        start = base + c * CH
        pltpu.sync_copy(logits_hbm.at[pl.ds(start, CH)], lg_v)

        def row_body(r, carry2):
            gdn = lax.GatherDimensionNumbers(
                offset_dims=(), collapsed_slice_dims=(0,),
                start_index_map=(0,))

            def bfly(v, op):
                for s in (8, 4, 2, 1):
                    perm = jnp.bitwise_xor(iota, jnp.int32(s))
                    sh = lax.gather(
                        v, perm[:, None], gdn, slice_sizes=(1,),
                        mode=lax.GatherScatterMode.PROMISE_IN_BOUNDS)
                    v = op(v, sh)
                return v

            vs = [lg_v[r, pl.ds(k * L, L)] for k in range(K_EXPERTS // L)]
            cols = [iota + jnp.int32(k * L) for k in range(K_EXPERTS // L)]
            m = vs[0]
            for k in range(1, K_EXPERTS // L):
                m = jnp.maximum(m, vs[k])
            l1v = bfly(m, jnp.maximum)
            cand = jnp.full((L,), big, jnp.int32)
            for k in range(K_EXPERTS // L):
                cand = jnp.minimum(cand, jnp.where(vs[k] == l1v, cols[k], big))
            i1v = bfly(cand, jnp.minimum)
            vms = [jnp.where(cols[k] == i1v, neg, vs[k])
                   for k in range(K_EXPERTS // L)]
            m2 = vms[0]
            for k in range(1, K_EXPERTS // L):
                m2 = jnp.maximum(m2, vms[k])
            l2v = bfly(m2, jnp.maximum)
            cand2 = jnp.full((L,), big, jnp.int32)
            for k in range(K_EXPERTS // L):
                cand2 = jnp.minimum(cand2, jnp.where(vms[k] == l2v, cols[k], big))
            i2v = bfly(cand2, jnp.minimum)
            ev = jnp.exp(l2v - l1v)
            denomv = jnp.float32(1.0) + ev
            p1v = jnp.float32(1.0) / denomv
            p2v = ev / denomv
            zerov = jnp.zeros((L,), jnp.float32)
            for k in range(K_EXPERTS // L):
                outv = (jnp.where(cols[k] == i1v, p1v, zerov)
                        + jnp.where(cols[k] == i2v, p2v, zerov))
                pr_v[r, pl.ds(k * L, L)] = outv
            ixv = jnp.where(iota == 0, i1v,
                            jnp.where(iota == 1, i2v, 0))
            ix_v[r, pl.ds(0, IDX_PAD)] = ixv
            return carry2

        lax.fori_loop(0, CH, row_body, 0)
        pltpu.sync_copy(pr_v, probs_hbm.at[pl.ds(start, CH)])
        pltpu.sync_copy(ix_v, idx_hbm.at[pl.ds(start, CH)])
        return carry

    lax.fori_loop(0, ROWS_PER_W // CH, chunk_body, 0)


@jax.jit
def kernel(x, W, b, keys):
    b2 = b.reshape(1, QUERY_DIM)
    n_tiles = N_TOKENS // TILE
    logits = pl.pallas_call(
        _logits_kernel,
        grid=(n_tiles,),
        in_specs=[
            pl.BlockSpec((TILE, INPUT_DIM), lambda i: (i, 0)),
            pl.BlockSpec((INPUT_DIM, QUERY_DIM), lambda i: (0, 0)),
            pl.BlockSpec((1, QUERY_DIM), lambda i: (0, 0)),
            pl.BlockSpec((K_EXPERTS, QUERY_DIM), lambda i: (0, 0)),
        ],
        out_specs=pl.BlockSpec((TILE, K_EXPERTS), lambda i: (i, 0)),
        out_shape=jax.ShapeDtypeStruct((N_TOKENS, K_EXPERTS), jnp.float32),
    )(x, W, b2, keys)
    probs, idx_pad = _sc_top2(logits)
    return (probs, idx_pad[:, :TOP_K])

# --- scband reference (transcript-rebuilt; emitter-appended) ---
"""Pipeline reference for scband-top-kgating-network-81647328297258 (READ-ONLY COPY).

The authoritative reference and input builder live on the scoring server;
editing this copy changes nothing except your own understanding.
"""

import jax, jax.numpy as jnp
import numpy as np

N_TOKENS = 32768
INPUT_DIM = 768
QUERY_DIM = 128
K_EXPERTS = 64
TOP_K = 2


def setup_inputs(seed: int = 0) -> dict:
    key = jax.random.key(seed)
    k1, k2, k3 = jax.random.split(key, 3)
    x = jax.random.normal(k1, (N_TOKENS, INPUT_DIM), dtype=jnp.float32)
    # nn.Linear(input_dim, query_dim) parameters
    W = jax.random.normal(k2, (INPUT_DIM, QUERY_DIM), dtype=jnp.float32) * (1.0 / np.sqrt(INPUT_DIM))
    b = jnp.zeros((QUERY_DIM,), dtype=jnp.float32)
    # keys parameter, xavier_uniform_ init
    limit = np.sqrt(6.0 / (K_EXPERTS + QUERY_DIM))
    keys = jax.random.uniform(k3, (K_EXPERTS, QUERY_DIM), dtype=jnp.float32, minval=-limit, maxval=limit)
    return {"x": x, "W": W, "b": b, "keys": keys}


def reference(x, W, b, keys):
    # query = self.query_proj(x)
    query = x @ W + b
    # logits = query @ keys.T / sqrt(query_dim)
    logits = (query @ keys.T) / jnp.sqrt(jnp.asarray(query.shape[-1], dtype=jnp.float32))
    # noise_std == 0.0, so no noise branch
    top_logits, top_indices = jax.lax.top_k(logits, TOP_K)
    top_probs = jax.nn.softmax(top_logits, axis=1)
    rows = jnp.arange(logits.shape[0])[:, None]
    gating_probs = jnp.zeros_like(logits).at[rows, top_indices].set(top_probs)
    return (gating_probs, top_indices)

if __name__ == "__main__":
    import jax
    _d = setup_inputs()
    print(jax.jit(kernel)(*tuple(_d.values())))

</pallas_src>

<mosaic_0001>
#map = affine_map<(d0, d1) -> (0, 0)>
module attributes {stable_mosaic.version = 14 : i64} {
  func.func @_sc_top2(%arg0: i32, %arg1: i32, %arg2: memref<32768x64xf32, #tpu.memory_space<hbm>>, %arg3: memref<32768x64xf32, #tpu.memory_space<hbm>>, %arg4: memref<32768x16xi32, #tpu.memory_space<hbm>>, %arg5: memref<256x64xf32, #tpu.memory_space<vmem>>, %arg6: memref<256x64xf32, #tpu.memory_space<vmem>>, %arg7: memref<256x16xi32, #tpu.memory_space<vmem>>) attributes {dimension_semantics = [#tpu.dimension_semantics<core_parallel>, #tpu.dimension_semantics<subcore_parallel>], iteration_bounds = array<i64: 2, 16>, scalar_prefetch = 0 : i64, scratch_operands = 3 : i64, tpu.core_type = #tpu.core_type<sc_vector_subcore>, window_params = [{transform_indices = #map}, {transform_indices = #map}, {transform_indices = #map}]} {
    %mul3A = arith.constant 2 : i32
    %mul3A_0 = arith.muli %arg1, %mul3A : i32
    %add3A = arith.addi %mul3A_0, %arg0 : i32
    %mul3A_1 = arith.constant 1024 : i32
    %mul3A_2 = arith.muli %add3A, %mul3A_1 : i32
    %iota3A = tpu.iota {dimensions = array<i32: 0>} : vector<16xi32>
    %scan3A = arith.constant 0 : i32
    %scan3A_3 = arith.constant 64 : i32
    %scan3A_4 = arith.constant -3.000000e+38 : f32
    %scan3A_5 = arith.constant 0 : i32
    %scan3A_6 = arith.constant 4 : i32
    %scan3A_7 = arith.addi %scan3A_5, %scan3A_6 : i32
    %scan3A_8 = arith.constant 1 : i32
    scf.for %scan3A_10 = %scan3A_5 to %scan3A_7 step %scan3A_8  : i32 {
      %mul3A_11 = arith.constant 256 : i32
      %mul3A_12 = arith.muli %scan3A_10, %mul3A_11 : i32
      %add3A_13 = arith.addi %mul3A_2, %mul3A_12 : i32
      "tpu.region"() ({
        %run_scoped3A = tpu.sem_alloc : memref<!tpu.dma_semaphore, #tpu.memory_space<semaphore_mem>>
        %dma_start3A = arith.constant 0 : i32
        %dma_start3A_20 = tpu.memref_slice %arg2[%add3A_13, %dma_start3A] : memref<32768x64xf32, #tpu.memory_space<hbm>> -> memref<256x64xf32, #tpu.memory_space<hbm>>
        %dma_start3A_21 = arith.constant 0 : i32
        %dma_start3A_22 = tpu.memref_slice %arg2[%add3A_13, %dma_start3A_21] : memref<32768x64xf32, #tpu.memory_space<hbm>> -> memref<256x64xf32, #tpu.memory_space<hbm>>
        tpu.enqueue_dma source(%dma_start3A_22 : memref<256x64xf32, #tpu.memory_space<hbm>>) target(%arg5 : memref<256x64xf32, #tpu.memory_space<vmem>>) target_semaphore(%run_scoped3A : memref<!tpu.dma_semaphore, #tpu.memory_space<semaphore_mem>>)
        %dma_wait3A = arith.constant 0 : i32
        %dma_wait3A_23 = tpu.memref_slice %arg2[%add3A_13, %dma_wait3A] : memref<32768x64xf32, #tpu.memory_space<hbm>> -> memref<256x64xf32, #tpu.memory_space<hbm>>
        %dma_wait3A_24 = arith.constant 0 : i32
        %dma_wait3A_25 = tpu.memref_slice %arg2[%add3A_13, %dma_wait3A_24] : memref<32768x64xf32, #tpu.memory_space<hbm>> -> memref<256x64xf32, #tpu.memory_space<hbm>>
        tpu.wait_dma2 semaphore(%run_scoped3A : memref<!tpu.dma_semaphore, #tpu.memory_space<semaphore_mem>>) src(%dma_wait3A_25 : memref<256x64xf32, #tpu.memory_space<hbm>>) dst(%arg5 : memref<256x64xf32, #tpu.memory_space<vmem>>)
        tpu.yield
      }) : () -> ()
      %scan3A_14 = arith.constant 0 : i32
      %scan3A_15 = arith.constant 0 : i32
      %scan3A_16 = arith.constant 256 : i32
      %scan3A_17 = arith.addi %scan3A_15, %scan3A_16 : i32
      %scan3A_18 = arith.constant 1 : i32
      scf.for %scan3A_20 = %scan3A_15 to %scan3A_17 step %scan3A_18  : i32 {
        %get3A = arith.index_cast %scan3A_20 : i32 to index
        %get3A_21 = arith.constant 0 : index
        %get3A_22 = tpu.vector_load %arg5[%get3A, %get3A_21] {strides = array<i32>} : memref<256x64xf32, #tpu.memory_space<vmem>>, vector<1x16xf32>,
        %get3A_23 = vector.shape_cast %get3A_22 : vector<1x16xf32> to vector<16xf32>
        %get3A_24 = arith.index_cast %scan3A_20 : i32 to index
        %get3A_25 = arith.constant 16 : index
        %get3A_26 = tpu.vector_load %arg5[%get3A_24, %get3A_25] {strides = array<i32>} : memref<256x64xf32, #tpu.memory_space<vmem>>, vector<1x16xf32>,
        %get3A_27 = vector.shape_cast %get3A_26 : vector<1x16xf32> to vector<16xf32>
        %get3A_28 = arith.index_cast %scan3A_20 : i32 to index
        %get3A_29 = arith.constant 32 : index
        %get3A_30 = tpu.vector_load %arg5[%get3A_28, %get3A_29] {strides = array<i32>} : memref<256x64xf32, #tpu.memory_space<vmem>>, vector<1x16xf32>,
        %get3A_31 = vector.shape_cast %get3A_30 : vector<1x16xf32> to vector<16xf32>
        %get3A_32 = arith.index_cast %scan3A_20 : i32 to index
        %get3A_33 = arith.constant 48 : index
        %get3A_34 = tpu.vector_load %arg5[%get3A_32, %get3A_33] {strides = array<i32>} : memref<256x64xf32, #tpu.memory_space<vmem>>, vector<1x16xf32>,
        %get3A_35 = vector.shape_cast %get3A_34 : vector<1x16xf32> to vector<16xf32>
        %add3A_36 = arith.constant 0 : i32
        %add3A_37 = vector.broadcast %add3A_36 : i32 to vector<16xi32>
        %add3A_38 = arith.addi %iota3A, %add3A_37 : vector<16xi32>
        %add3A_39 = arith.constant 16 : i32
        %add3A_40 = vector.broadcast %add3A_39 : i32 to vector<16xi32>
        %add3A_41 = arith.addi %iota3A, %add3A_40 : vector<16xi32>
        %add3A_42 = arith.constant 32 : i32
        %add3A_43 = vector.broadcast %add3A_42 : i32 to vector<16xi32>
        %add3A_44 = arith.addi %iota3A, %add3A_43 : vector<16xi32>
        %add3A_45 = arith.constant 48 : i32
        %add3A_46 = vector.broadcast %add3A_45 : i32 to vector<16xi32>
        %add3A_47 = arith.addi %iota3A, %add3A_46 : vector<16xi32>
        %max3A = arith.maximumf %get3A_23, %get3A_27 : vector<16xf32>
        %max3A_48 = arith.maximumf %max3A, %get3A_31 : vector<16xf32>
        %max3A_49 = arith.maximumf %max3A_48, %get3A_35 : vector<16xf32>
        %xor3A = arith.constant 8 : i32
        %xor3A_50 = vector.broadcast %xor3A : i32 to vector<16xi32>
        %xor3A_51 = arith.xori %iota3A, %xor3A_50 : vector<16xi32>
        %broadcast_in_dim3A = vector.shape_cast %xor3A_51 : vector<16xi32> to vector<16x1xi32>
        %gather3A = vector.shape_cast %broadcast_in_dim3A : vector<16x1xi32> to vector<16xi32>
        %gather3A_52 = tpu.dynamic_gather %max3A_49[%gather3A] in [0] : vector<16xf32>, vector<16xi32> -> vector<16xf32>
        %max3A_53 = arith.maximumf %max3A_49, %gather3A_52 : vector<16xf32>
        %xor3A_54 = arith.constant 4 : i32
        %xor3A_55 = vector.broadcast %xor3A_54 : i32 to vector<16xi32>
        %xor3A_56 = arith.xori %iota3A, %xor3A_55 : vector<16xi32>
        %broadcast_in_dim3A_57 = vector.shape_cast %xor3A_56 : vector<16xi32> to vector<16x1xi32>
        %gather3A_58 = vector.shape_cast %broadcast_in_dim3A_57 : vector<16x1xi32> to vector<16xi32>
        %gather3A_59 = tpu.dynamic_gather %max3A_53[%gather3A_58] in [0] : vector<16xf32>, vector<16xi32> -> vector<16xf32>
        %max3A_60 = arith.maximumf %max3A_53, %gather3A_59 : vector<16xf32>
        %xor3A_61 = arith.constant 2 : i32
        %xor3A_62 = vector.broadcast %xor3A_61 : i32 to vector<16xi32>
        %xor3A_63 = arith.xori %iota3A, %xor3A_62 : vector<16xi32>
        %broadcast_in_dim3A_64 = vector.shape_cast %xor3A_63 : vector<16xi32> to vector<16x1xi32>
        %gather3A_65 = vector.shape_cast %broadcast_in_dim3A_64 : vector<16x1xi32> to vector<16xi32>
        %gather3A_66 = tpu.dynamic_gather %max3A_60[%gather3A_65] in [0] : vector<16xf32>, vector<16xi32> -> vector<16xf32>
        %max3A_67 = arith.maximumf %max3A_60, %gather3A_66 : vector<16xf32>
        %xor3A_68 = arith.constant 1 : i32
        %xor3A_69 = vector.broadcast %xor3A_68 : i32 to vector<16xi32>
        %xor3A_70 = arith.xori %iota3A, %xor3A_69 : vector<16xi32>
        %broadcast_in_dim3A_71 = vector.shape_cast %xor3A_70 : vector<16xi32> to vector<16x1xi32>
        %gather3A_72 = vector.shape_cast %broadcast_in_dim3A_71 : vector<16x1xi32> to vector<16xi32>
        %gather3A_73 = tpu.dynamic_gather %max3A_67[%gather3A_72] in [0] : vector<16xf32>, vector<16xi32> -> vector<16xf32>
        %max3A_74 = arith.maximumf %max3A_67, %gather3A_73 : vector<16xf32>
        %broadcast_in_dim3A_75 = vector.broadcast %scan3A_3 : i32 to vector<16xi32>
        %eq3A = arith.cmpf oeq, %get3A_23, %max3A_74 : vector<16xf32>
        %broadcast_in_dim3A_76 = vector.broadcast %scan3A_3 : i32 to vector<16xi32>
        %select_n3A = arith.select %eq3A, %add3A_38, %broadcast_in_dim3A_76 : vector<16xi1>, vector<16xi32>
        %min3A = arith.minsi %broadcast_in_dim3A_75, %select_n3A : vector<16xi32>
        %eq3A_77 = arith.cmpf oeq, %get3A_27, %max3A_74 : vector<16xf32>
        %broadcast_in_dim3A_78 = vector.broadcast %scan3A_3 : i32 to vector<16xi32>
        %select_n3A_79 = arith.select %eq3A_77, %add3A_41, %broadcast_in_dim3A_78 : vector<16xi1>, vector<16xi32>
        %min3A_80 = arith.minsi %min3A, %select_n3A_79 : vector<16xi32>
        %eq3A_81 = arith.cmpf oeq, %get3A_31, %max3A_74 : vector<16xf32>
        %broadcast_in_dim3A_82 = vector.broadcast %scan3A_3 : i32 to vector<16xi32>
        %select_n3A_83 = arith.select %eq3A_81, %add3A_44, %broadcast_in_dim3A_82 : vector<16xi1>, vector<16xi32>
        %min3A_84 = arith.minsi %min3A_80, %select_n3A_83 : vector<16xi32>
        %eq3A_85 = arith.cmpf oeq, %get3A_35, %max3A_74 : vector<16xf32>
        %broadcast_in_dim3A_86 = vector.broadcast %scan3A_3 : i32 to vector<16xi32>
        %select_n3A_87 = arith.select %eq3A_85, %add3A_47, %broadcast_in_dim3A_86 : vector<16xi1>, vector<16xi32>
        %min3A_88 = arith.minsi %min3A_84, %select_n3A_87 : vector<16xi32>
        %xor3A_89 = arith.constant 8 : i32
        %xor3A_90 = vector.broadcast %xor3A_89 : i32 to vector<16xi32>
        %xor3A_91 = arith.xori %iota3A, %xor3A_90 : vector<16xi32>
        %broadcast_in_dim3A_92 = vector.shape_cast %xor3A_91 : vector<16xi32> to vector<16x1xi32>
        %gather3A_93 = vector.shape_cast %broadcast_in_dim3A_92 : vector<16x1xi32> to vector<16xi32>
        %gather3A_94 = tpu.dynamic_gather %min3A_88[%gather3A_93] in [0] : vector<16xi32>, vector<16xi32> -> vector<16xi32>
        %min3A_95 = arith.minsi %min3A_88, %gather3A_94 : vector<16xi32>
        %xor3A_96 = arith.constant 4 : i32
        %xor3A_97 = vector.broadcast %xor3A_96 : i32 to vector<16xi32>
        %xor3A_98 = arith.xori %iota3A, %xor3A_97 : vector<16xi32>
        %broadcast_in_dim3A_99 = vector.shape_cast %xor3A_98 : vector<16xi32> to vector<16x1xi32>
        %gather3A_100 = vector.shape_cast %broadcast_in_dim3A_99 : vector<16x1xi32> to vector<16xi32>
        %gather3A_101 = tpu.dynamic_gather %min3A_95[%gather3A_100] in [0] : vector<16xi32>, vector<16xi32> -> vector<16xi32>
        %min3A_102 = arith.minsi %min3A_95, %gather3A_101 : vector<16xi32>
        %xor3A_103 = arith.constant 2 : i32
        %xor3A_104 = vector.broadcast %xor3A_103 : i32 to vector<16xi32>
        %xor3A_105 = arith.xori %iota3A, %xor3A_104 : vector<16xi32>
        %broadcast_in_dim3A_106 = vector.shape_cast %xor3A_105 : vector<16xi32> to vector<16x1xi32>
        %gather3A_107 = vector.shape_cast %broadcast_in_dim3A_106 : vector<16x1xi32> to vector<16xi32>
        %gather3A_108 = tpu.dynamic_gather %min3A_102[%gather3A_107] in [0] : vector<16xi32>, vector<16xi32> -> vector<16xi32>
        %min3A_109 = arith.minsi %min3A_102, %gather3A_108 : vector<16xi32>
        %xor3A_110 = arith.constant 1 : i32
        %xor3A_111 = vector.broadcast %xor3A_110 : i32 to vector<16xi32>
        %xor3A_112 = arith.xori %iota3A, %xor3A_111 : vector<16xi32>
        %broadcast_in_dim3A_113 = vector.shape_cast %xor3A_112 : vector<16xi32> to vector<16x1xi32>
        %gather3A_114 = vector.shape_cast %broadcast_in_dim3A_113 : vector<16x1xi32> to vector<16xi32>
        %gather3A_115 = tpu.dynamic_gather %min3A_109[%gather3A_114] in [0] : vector<16xi32>, vector<16xi32> -> vector<16xi32>
        %min3A_116 = arith.minsi %min3A_109, %gather3A_115 : vector<16xi32>
        %eq3A_117 = arith.cmpi eq, %add3A_38, %min3A_116 : vector<16xi32>
        %broadcast_in_dim3A_118 = vector.broadcast %scan3A_4 : f32 to vector<16xf32>
        %select_n3A_119 = arith.select %eq3A_117, %broadcast_in_dim3A_118, %get3A_23 : vector<16xi1>, vector<16xf32>
        %eq3A_120 = arith.cmpi eq, %add3A_41, %min3A_116 : vector<16xi32>
        %broadcast_in_dim3A_121 = vector.broadcast %scan3A_4 : f32 to vector<16xf32>
        %select_n3A_122 = arith.select %eq3A_120, %broadcast_in_dim3A_121, %get3A_27 : vector<16xi1>, vector<16xf32>
        %eq3A_123 = arith.cmpi eq, %add3A_44, %min3A_116 : vector<16xi32>
        %broadcast_in_dim3A_124 = vector.broadcast %scan3A_4 : f32 to vector<16xf32>
        %select_n3A_125 = arith.select %eq3A_123, %broadcast_in_dim3A_124, %get3A_31 : vector<16xi1>, vector<16xf32>
        %eq3A_126 = arith.cmpi eq, %add3A_47, %min3A_116 : vector<16xi32>
        %broadcast_in_dim3A_127 = vector.broadcast %scan3A_4 : f32 to vector<16xf32>
        %select_n3A_128 = arith.select %eq3A_126, %broadcast_in_dim3A_127, %get3A_35 : vector<16xi1>, vector<16xf32>
        %max3A_129 = arith.maximumf %select_n3A_119, %select_n3A_122 : vector<16xf32>
        %max3A_130 = arith.maximumf %max3A_129, %select_n3A_125 : vector<16xf32>
        %max3A_131 = arith.maximumf %max3A_130, %select_n3A_128 : vector<16xf32>
        %xor3A_132 = arith.constant 8 : i32
        %xor3A_133 = vector.broadcast %xor3A_132 : i32 to vector<16xi32>
        %xor3A_134 = arith.xori %iota3A, %xor3A_133 : vector<16xi32>
        %broadcast_in_dim3A_135 = vector.shape_cast %xor3A_134 : vector<16xi32> to vector<16x1xi32>
        %gather3A_136 = vector.shape_cast %broadcast_in_dim3A_135 : vector<16x1xi32> to vector<16xi32>
        %gather3A_137 = tpu.dynamic_gather %max3A_131[%gather3A_136] in [0] : vector<16xf32>, vector<16xi32> -> vector<16xf32>
        %max3A_138 = arith.maximumf %max3A_131, %gather3A_137 : vector<16xf32>
        %xor3A_139 = arith.constant 4 : i32
        %xor3A_140 = vector.broadcast %xor3A_139 : i32 to vector<16xi32>
        %xor3A_141 = arith.xori %iota3A, %xor3A_140 : vector<16xi32>
        %broadcast_in_dim3A_142 = vector.shape_cast %xor3A_141 : vector<16xi32> to vector<16x1xi32>
        %gather3A_143 = vector.shape_cast %broadcast_in_dim3A_142 : vector<16x1xi32> to vector<16xi32>
        %gather3A_144 = tpu.dynamic_gather %max3A_138[%gather3A_143] in [0] : vector<16xf32>, vector<16xi32> -> vector<16xf32>
        %max3A_145 = arith.maximumf %max3A_138, %gather3A_144 : vector<16xf32>
        %xor3A_146 = arith.constant 2 : i32
        %xor3A_147 = vector.broadcast %xor3A_146 : i32 to vector<16xi32>
        %xor3A_148 = arith.xori %iota3A, %xor3A_147 : vector<16xi32>
        %broadcast_in_dim3A_149 = vector.shape_cast %xor3A_148 : vector<16xi32> to vector<16x1xi32>
        %gather3A_150 = vector.shape_cast %broadcast_in_dim3A_149 : vector<16x1xi32> to vector<16xi32>
        %gather3A_151 = tpu.dynamic_gather %max3A_145[%gather3A_150] in [0] : vector<16xf32>, vector<16xi32> -> vector<16xf32>
        %max3A_152 = arith.maximumf %max3A_145, %gather3A_151 : vector<16xf32>
        %xor3A_153 = arith.constant 1 : i32
        %xor3A_154 = vector.broadcast %xor3A_153 : i32 to vector<16xi32>
        %xor3A_155 = arith.xori %iota3A, %xor3A_154 : vector<16xi32>
        %broadcast_in_dim3A_156 = vector.shape_cast %xor3A_155 : vector<16xi32> to vector<16x1xi32>
        %gather3A_157 = vector.shape_cast %broadcast_in_dim3A_156 : vector<16x1xi32> to vector<16xi32>
        %gather3A_158 = tpu.dynamic_gather %max3A_152[%gather3A_157] in [0] : vector<16xf32>, vector<16xi32> -> vector<16xf32>
        %max3A_159 = arith.maximumf %max3A_152, %gather3A_158 : vector<16xf32>
        %broadcast_in_dim3A_160 = vector.broadcast %scan3A_3 : i32 to vector<16xi32>
        %eq3A_161 = arith.cmpf oeq, %select_n3A_119, %max3A_159 : vector<16xf32>
        %broadcast_in_dim3A_162 = vector.broadcast %scan3A_3 : i32 to vector<16xi32>
        %select_n3A_163 = arith.select %eq3A_161, %add3A_38, %broadcast_in_dim3A_162 : vector<16xi1>, vector<16xi32>
        %min3A_164 = arith.minsi %broadcast_in_dim3A_160, %select_n3A_163 : vector<16xi32>
        %eq3A_165 = arith.cmpf oeq, %select_n3A_122, %max3A_159 : vector<16xf32>
        %broadcast_in_dim3A_166 = vector.broadcast %scan3A_3 : i32 to vector<16xi32>
        %select_n3A_167 = arith.select %eq3A_165, %add3A_41, %broadcast_in_dim3A_166 : vector<16xi1>, vector<16xi32>
        %min3A_168 = arith.minsi %min3A_164, %select_n3A_167 : vector<16xi32>
        %eq3A_169 = arith.cmpf oeq, %select_n3A_125, %max3A_159 : vector<16xf32>
        %broadcast_in_dim3A_170 = vector.broadcast %scan3A_3 : i32 to vector<16xi32>
        %select_n3A_171 = arith.select %eq3A_169, %add3A_44, %broadcast_in_dim3A_170 : vector<16xi1>, vector<16xi32>
        %min3A_172 = arith.minsi %min3A_168, %select_n3A_171 : vector<16xi32>
        %eq3A_173 = arith.cmpf oeq, %select_n3A_128, %max3A_159 : vector<16xf32>
        %broadcast_in_dim3A_174 = vector.broadcast %scan3A_3 : i32 to vector<16xi32>
        %select_n3A_175 = arith.select %eq3A_173, %add3A_47, %broadcast_in_dim3A_174 : vector<16xi1>, vector<16xi32>
        %min3A_176 = arith.minsi %min3A_172, %select_n3A_175 : vector<16xi32>
        %xor3A_177 = arith.constant 8 : i32
        %xor3A_178 = vector.broadcast %xor3A_177 : i32 to vector<16xi32>
        %xor3A_179 = arith.xori %iota3A, %xor3A_178 : vector<16xi32>
        %broadcast_in_dim3A_180 = vector.shape_cast %xor3A_179 : vector<16xi32> to vector<16x1xi32>
        %gather3A_181 = vector.shape_cast %broadcast_in_dim3A_180 : vector<16x1xi32> to vector<16xi32>
        %gather3A_182 = tpu.dynamic_gather %min3A_176[%gather3A_181] in [0] : vector<16xi32>, vector<16xi32> -> vector<16xi32>
        %min3A_183 = arith.minsi %min3A_176, %gather3A_182 : vector<16xi32>
        %xor3A_184 = arith.constant 4 : i32
        %xor3A_185 = vector.broadcast %xor3A_184 : i32 to vector<16xi32>
        %xor3A_186 = arith.xori %iota3A, %xor3A_185 : vector<16xi32>
        %broadcast_in_dim3A_187 = vector.shape_cast %xor3A_186 : vector<16xi32> to vector<16x1xi32>
        %gather3A_188 = vector.shape_cast %broadcast_in_dim3A_187 : vector<16x1xi32> to vector<16xi32>
        %gather3A_189 = tpu.dynamic_gather %min3A_183[%gather3A_188] in [0] : vector<16xi32>, vector<16xi32> -> vector<16xi32>
        %min3A_190 = arith.minsi %min3A_183, %gather3A_189 : vector<16xi32>
        %xor3A_191 = arith.constant 2 : i32
        %xor3A_192 = vector.broadcast %xor3A_191 : i32 to vector<16xi32>
        %xor3A_193 = arith.xori %iota3A, %xor3A_192 : vector<16xi32>
        %broadcast_in_dim3A_194 = vector.shape_cast %xor3A_193 : vector<16xi32> to vector<16x1xi32>
        %gather3A_195 = vector.shape_cast %broadcast_in_dim3A_194 : vector<16x1xi32> to vector<16xi32>
        %gather3A_196 = tpu.dynamic_gather %min3A_190[%gather3A_195] in [0] : vector<16xi32>, vector<16xi32> -> vector<16xi32>
        %min3A_197 = arith.minsi %min3A_190, %gather3A_196 : vector<16xi32>
        %xor3A_198 = arith.constant 1 : i32
        %xor3A_199 = vector.broadcast %xor3A_198 : i32 to vector<16xi32>
        %xor3A_200 = arith.xori %iota3A, %xor3A_199 : vector<16xi32>
        %broadcast_in_dim3A_201 = vector.shape_cast %xor3A_200 : vector<16xi32> to vector<16x1xi32>
        %gather3A_202 = vector.shape_cast %broadcast_in_dim3A_201 : vector<16x1xi32> to vector<16xi32>
        %gather3A_203 = tpu.dynamic_gather %min3A_197[%gather3A_202] in [0] : vector<16xi32>, vector<16xi32> -> vector<16xi32>
        %min3A_204 = arith.minsi %min3A_197, %gather3A_203 : vector<16xi32>
        %sub3A = arith.subf %max3A_159, %max3A_74 : vector<16xf32>
        %exp3A = math.exp %sub3A : vector<16xf32>
        %add3A_205 = arith.constant 1.000000e+00 : f32
        %add3A_206 = vector.broadcast %add3A_205 : f32 to vector<16xf32>
        %add3A_207 = arith.addf %add3A_206, %exp3A : vector<16xf32>
        %div3A = arith.constant 1.000000e+00 : f32
        %div3A_208 = vector.broadcast %div3A : f32 to vector<16xf32>
        %div3A_209 = arith.divf %div3A_208, %add3A_207 : vector<16xf32>
        %div3A_210 = arith.divf %exp3A, %add3A_207 : vector<16xf32>
        %broadcast_in_dim3A_211 = arith.constant 0.000000e+00 : f32
        %broadcast_in_dim3A_212 = vector.broadcast %broadcast_in_dim3A_211 : f32 to vector<16xf32>
        %eq3A_213 = arith.cmpi eq, %add3A_38, %min3A_116 : vector<16xi32>
        %select_n3A_214 = arith.select %eq3A_213, %div3A_209, %broadcast_in_dim3A_212 : vector<16xi1>, vector<16xf32>
        %eq3A_215 = arith.cmpi eq, %add3A_38, %min3A_204 : vector<16xi32>
        %select_n3A_216 = arith.select %eq3A_215, %div3A_210, %broadcast_in_dim3A_212 : vector<16xi1>, vector<16xf32>
        %add3A_217 = arith.addf %select_n3A_214, %select_n3A_216 : vector<16xf32>
        %swap3A = arith.index_cast %scan3A_20 : i32 to index
        %swap3A_218 = arith.constant 0 : index
        %swap3A_219 = tpu.vector_load %arg6[%swap3A, %swap3A_218] {strides = array<i32>} : memref<256x64xf32, #tpu.memory_space<vmem>>, vector<1x16xf32>,
        %swap3A_220 = vector.shape_cast %swap3A_219 : vector<1x16xf32> to vector<16xf32>
        %swap3A_221 = vector.shape_cast %add3A_217 : vector<16xf32> to vector<1x16xf32>
        tpu.vector_store %arg6[%swap3A, %swap3A_218], %swap3A_221 {strides = array<i32>} : memref<256x64xf32, #tpu.memory_space<vmem>>, vector<1x16xf32>,
        %eq3A_222 = arith.cmpi eq, %add3A_41, %min3A_116 : vector<16xi32>
        %select_n3A_223 = arith.select %eq3A_222, %div3A_209, %broadcast_in_dim3A_212 : vector<16xi1>, vector<16xf32>
        %eq3A_224 = arith.cmpi eq, %add3A_41, %min3A_204 : vector<16xi32>
        %select_n3A_225 = arith.select %eq3A_224, %div3A_210, %broadcast_in_dim3A_212 : vector<16xi1>, vector<16xf32>
        %add3A_226 = arith.addf %select_n3A_223, %select_n3A_225 : vector<16xf32>
        %swap3A_227 = arith.index_cast %scan3A_20 : i32 to index
        %swap3A_228 = arith.constant 16 : index
        %swap3A_229 = tpu.vector_load %arg6[%swap3A_227, %swap3A_228] {strides = array<i32>} : memref<256x64xf32, #tpu.memory_space<vmem>>, vector<1x16xf32>,
        %swap3A_230 = vector.shape_cast %swap3A_229 : vector<1x16xf32> to vector<16xf32>
        %swap3A_231 = vector.shape_cast %add3A_226 : vector<16xf32> to vector<1x16xf32>
        tpu.vector_store %arg6[%swap3A_227, %swap3A_228], %swap3A_231 {strides = array<i32>} : memref<256x64xf32, #tpu.memory_space<vmem>>, vector<1x16xf32>,
        %eq3A_232 = arith.cmpi eq, %add3A_44, %min3A_116 : vector<16xi32>
        %select_n3A_233 = arith.select %eq3A_232, %div3A_209, %broadcast_in_dim3A_212 : vector<16xi1>, vector<16xf32>
        %eq3A_234 = arith.cmpi eq, %add3A_44, %min3A_204 : vector<16xi32>
        %select_n3A_235 = arith.select %eq3A_234, %div3A_210, %broadcast_in_dim3A_212 : vector<16xi1>, vector<16xf32>
        %add3A_236 = arith.addf %select_n3A_233, %select_n3A_235 : vector<16xf32>
        %swap3A_237 = arith.index_cast %scan3A_20 : i32 to index
        %swap3A_238 = arith.constant 32 : index
        %swap3A_239 = tpu.vector_load %arg6[%swap3A_237, %swap3A_238] {strides = array<i32>} : memref<256x64xf32, #tpu.memory_space<vmem>>, vector<1x16xf32>,
        %swap3A_240 = vector.shape_cast %swap3A_239 : vector<1x16xf32> to vector<16xf32>
        %swap3A_241 = vector.shape_cast %add3A_236 : vector<16xf32> to vector<1x16xf32>
        tpu.vector_store %arg6[%swap3A_237, %swap3A_238], %swap3A_241 {strides = array<i32>} : memref<256x64xf32, #tpu.memory_space<vmem>>, vector<1x16xf32>,
        %eq3A_242 = arith.cmpi eq, %add3A_47, %min3A_116 : vector<16xi32>
        %select_n3A_243 = arith.select %eq3A_242, %div3A_209, %broadcast_in_dim3A_212 : vector<16xi1>, vector<16xf32>
        %eq3A_244 = arith.cmpi eq, %add3A_47, %min3A_204 : vector<16xi32>
        %select_n3A_245 = arith.select %eq3A_244, %div3A_210, %broadcast_in_dim3A_212 : vector<16xi1>, vector<16xf32>
        %add3A_246 = arith.addf %select_n3A_243, %select_n3A_245 : vector<16xf32>
        %swap3A_247 = arith.index_cast %scan3A_20 : i32 to index
        %swap3A_248 = arith.constant 48 : index
        %swap3A_249 = tpu.vector_load %arg6[%swap3A_247, %swap3A_248] {strides = array<i32>} : memref<256x64xf32, #tpu.memory_space<vmem>>, vector<1x16xf32>,
        %swap3A_250 = vector.shape_cast %swap3A_249 : vector<1x16xf32> to vector<16xf32>
        %swap3A_251 = vector.shape_cast %add3A_246 : vector<16xf32> to vector<1x16xf32>
        tpu.vector_store %arg6[%swap3A_247, %swap3A_248], %swap3A_251 {strides = array<i32>} : memref<256x64xf32, #tpu.memory_space<vmem>>, vector<1x16xf32>,
        %eq3A_252 = arith.constant 0 : i32
        %eq3A_253 = vector.broadcast %eq3A_252 : i32 to vector<16xi32>
        %eq3A_254 = arith.cmpi eq, %iota3A, %eq3A_253 : vector<16xi32>
        %eq3A_255 = arith.constant 1 : i32
        %eq3A_256 = vector.broadcast %eq3A_255 : i32 to vector<16xi32>
        %eq3A_257 = arith.cmpi eq, %iota3A, %eq3A_256 : vector<16xi32>
        %jit3A = arith.constant 0 : i32
        %broadcast_in_dim3A_258 = vector.broadcast %jit3A : i32 to vector<16xi32>
        %select_n3A_259 = arith.select %eq3A_257, %min3A_204, %broadcast_in_dim3A_258 : vector<16xi1>, vector<16xi32>
        %select_n3A_260 = arith.select %eq3A_254, %min3A_116, %select_n3A_259 : vector<16xi1>, vector<16xi32>
        %swap3A_261 = arith.index_cast %scan3A_20 : i32 to index
        %swap3A_262 = arith.constant 0 : index
        %swap3A_263 = tpu.vector_load %arg7[%swap3A_261, %swap3A_262] {strides = array<i32>} : memref<256x16xi32, #tpu.memory_space<vmem>>, vector<1x16xi32>,
        %swap3A_264 = vector.shape_cast %swap3A_263 : vector<1x16xi32> to vector<16xi32>
        %swap3A_265 = vector.shape_cast %select_n3A_260 : vector<16xi32> to vector<1x16xi32>
        tpu.vector_store %arg7[%swap3A_261, %swap3A_262], %swap3A_265 {strides = array<i32>} : memref<256x16xi32, #tpu.memory_space<vmem>>, vector<1x16xi32>,
      }
      %scan3A_19 = arith.constant 256 : i32
      "tpu.region"() ({
        %run_scoped3A = tpu.sem_alloc : memref<!tpu.dma_semaphore, #tpu.memory_space<semaphore_mem>>
        %dma_start3A = arith.constant 0 : i32
        %dma_start3A_20 = tpu.memref_slice %arg3[%add3A_13, %dma_start3A] : memref<32768x64xf32, #tpu.memory_space<hbm>> -> memref<256x64xf32, #tpu.memory_space<hbm>>
        %dma_start3A_21 = arith.constant 0 : i32
        %dma_start3A_22 = tpu.memref_slice %arg3[%add3A_13, %dma_start3A_21] : memref<32768x64xf32, #tpu.memory_space<hbm>> -> memref<256x64xf32, #tpu.memory_space<hbm>>
        tpu.enqueue_dma source(%arg6 : memref<256x64xf32, #tpu.memory_space<vmem>>) target(%dma_start3A_22 : memref<256x64xf32, #tpu.memory_space<hbm>>) target_semaphore(%run_scoped3A : memref<!tpu.dma_semaphore, #tpu.memory_space<semaphore_mem>>)
        %dma_wait3A = arith.constant 0 : i32
        %dma_wait3A_23 = tpu.memref_slice %arg3[%add3A_13, %dma_wait3A] : memref<32768x64xf32, #tpu.memory_space<hbm>> -> memref<256x64xf32, #tpu.memory_space<hbm>>
        %dma_wait3A_24 = arith.constant 0 : i32
        %dma_wait3A_25 = tpu.memref_slice %arg3[%add3A_13, %dma_wait3A_24] : memref<32768x64xf32, #tpu.memory_space<hbm>> -> memref<256x64xf32, #tpu.memory_space<hbm>>
        tpu.wait_dma2 semaphore(%run_scoped3A : memref<!tpu.dma_semaphore, #tpu.memory_space<semaphore_mem>>) src(%arg6 : memref<256x64xf32, #tpu.memory_space<vmem>>) dst(%dma_wait3A_25 : memref<256x64xf32, #tpu.memory_space<hbm>>)
        tpu.yield
      }) : () -> ()
      "tpu.region"() ({
        %run_scoped3A = tpu.sem_alloc : memref<!tpu.dma_semaphore, #tpu.memory_space<semaphore_mem>>
        %dma_start3A = arith.constant 0 : i32
        %dma_start3A_20 = tpu.memref_slice %arg4[%add3A_13, %dma_start3A] : memref<32768x16xi32, #tpu.memory_space<hbm>> -> memref<256x16xi32, #tpu.memory_space<hbm>>
        %dma_start3A_21 = arith.constant 0 : i32
        %dma_start3A_22 = tpu.memref_slice %arg4[%add3A_13, %dma_start3A_21] : memref<32768x16xi32, #tpu.memory_space<hbm>> -> memref<256x16xi32, #tpu.memory_space<hbm>>
        tpu.enqueue_dma source(%arg7 : memref<256x16xi32, #tpu.memory_space<vmem>>) target(%dma_start3A_22 : memref<256x16xi32, #tpu.memory_space<hbm>>) target_semaphore(%run_scoped3A : memref<!tpu.dma_semaphore, #tpu.memory_space<semaphore_mem>>)
        %dma_wait3A = arith.constant 0 : i32
        %dma_wait3A_23 = tpu.memref_slice %arg4[%add3A_13, %dma_wait3A] : memref<32768x16xi32, #tpu.memory_space<hbm>> -> memref<256x16xi32, #tpu.memory_space<hbm>>
        %dma_wait3A_24 = arith.constant 0 : i32
        %dma_wait3A_25 = tpu.memref_slice %arg4[%add3A_13, %dma_wait3A_24] : memref<32768x16xi32, #tpu.memory_space<hbm>> -> memref<256x16xi32, #tpu.memory_space<hbm>>
        tpu.wait_dma2 semaphore(%run_scoped3A : memref<!tpu.dma_semaphore, #tpu.memory_space<semaphore_mem>>) src(%arg7 : memref<256x16xi32, #tpu.memory_space<vmem>>) dst(%dma_wait3A_25 : memref<256x16xi32, #tpu.memory_space<hbm>>)
        tpu.yield
      }) : () -> ()
    }
    %scan3A_9 = arith.constant 4 : i32
    return
  }
}

module attributes {stable_mosaic.version = 14 : i64} {
  func.func @_logits_kernel(%arg0: i32, %arg1: memref<4096x768xf32, #tpu.memory_space<vmem>>, %arg2: memref<768x128xf32, #tpu.memory_space<vmem>>, %arg3: memref<1x128xf32, #tpu.memory_space<vmem>>, %arg4: memref<64x128xf32, #tpu.memory_space<vmem>>, %arg5: memref<4096x64xf32, #tpu.memory_space<vmem>>) attributes {dimension_semantics = [#tpu.dimension_semantics<arbitrary>], iteration_bounds = array<i64: 8>, scalar_prefetch = 0 : i64, scratch_operands = 0 : i64, tpu.core_type = #tpu.core_type<tc>, window_params = [{transform_indices = @transform_0, window_bounds = array<i64: 4096, 768>}, {pipeline_mode = #tpu.pipeline_mode<synchronous>, transform_indices = @transform_1, window_bounds = array<i64: 768, 128>}, {pipeline_mode = #tpu.pipeline_mode<synchronous>, transform_indices = @transform_2, window_bounds = array<i64: 1, 128>}, {pipeline_mode = #tpu.pipeline_mode<synchronous>, transform_indices = @transform_3, window_bounds = array<i64: 64, 128>}, {transform_indices = @transform_4, window_bounds = array<i64: 4096, 64>}]} {
    %get3A = arith.constant 0 : index
    %get3A_0 = arith.constant 0 : index
    %get3A_1 = vector.load %arg1[%get3A, %get3A_0] : memref<4096x768xf32, #tpu.memory_space<vmem>>, vector<4096x768xf32>
    %get3A_2 = arith.constant 0 : index
    %get3A_3 = arith.constant 0 : index
    %get3A_4 = vector.load %arg2[%get3A_2, %get3A_3] : memref<768x128xf32, #tpu.memory_space<vmem>>, vector<768x128xf32>
    %dot_general3A = arith.constant dense<0.000000e+00> : vector<4096x128xf32>
    %dot_general3A_5 = tpu.matmul %get3A_1, %get3A_4, %dot_general3A {dimension_numbers = #tpu.dot_dimension_numbers<[1], [0], [0], [1], [0, 0, 1, 1], [], []>, transpose_lhs_hint = false} : vector<4096x768xf32>, vector<768x128xf32>, vector<4096x128xf32> -> vector<4096x128xf32>
    %get3A_6 = arith.constant 0 : index
    %get3A_7 = arith.constant 0 : index
    %get3A_8 = vector.load %arg3[%get3A_6, %get3A_7] : memref<1x128xf32, #tpu.memory_space<vmem>>, vector<1x128xf32>
    %add3A = vector.broadcast %get3A_8 : vector<1x128xf32> to vector<4096x128xf32>
    %add3A_9 = arith.addf %dot_general3A_5, %add3A : vector<4096x128xf32>
    %get3A_10 = arith.constant 0 : index
    %get3A_11 = arith.constant 0 : index
    %get3A_12 = vector.load %arg4[%get3A_10, %get3A_11] : memref<64x128xf32, #tpu.memory_space<vmem>>, vector<64x128xf32>
    %dot_general3A_13 = arith.constant dense<0.000000e+00> : vector<4096x64xf32>
    %dot_general3A_14 = tpu.matmul %add3A_9, %get3A_12, %dot_general3A_13 {dimension_numbers = #tpu.dot_dimension_numbers<[1], [1], [0], [0], [0, 0, 1, 0], [], []>, transpose_lhs_hint = false} : vector<4096x128xf32>, vector<64x128xf32>, vector<4096x64xf32> -> vector<4096x64xf32>
    %sqrt3A = arith.constant 1.280000e+02 : f32
    %sqrt3A_15 = math.sqrt %sqrt3A : f32
    %div3A = vector.broadcast %sqrt3A_15 : f32 to vector<4096x64xf32>
    %div3A_16 = arith.divf %dot_general3A_14, %div3A : vector<4096x64xf32>
    %swap3A = arith.constant 0 : index
    %swap3A_17 = arith.constant 0 : index
    %swap3A_18 = vector.load %arg5[%swap3A, %swap3A_17] : memref<4096x64xf32, #tpu.memory_space<vmem>>, vector<4096x64xf32>
    tpu.vector_store %arg5[%swap3A, %swap3A_17], %div3A_16 {strides = array<i32>} : memref<4096x64xf32, #tpu.memory_space<vmem>>, vector<4096x64xf32>,
    return
  }
  func.func @transform_0(%arg0: i32) -> (i32, i32) {
    %c0_i32 = arith.constant 0 : i32
    %c0_i32_0 = arith.constant 0 : i32
    return %arg0, %c0_i32 : i32, i32
  }
  func.func @transform_1(%arg0: i32) -> (i32, i32) {
    %c0_i32 = arith.constant 0 : i32
    %c0_i32_0 = arith.constant 0 : i32
    %c0_i32_1 = arith.constant 0 : i32
    return %c0_i32, %c0_i32_0 : i32, i32
  }
  func.func @transform_2(%arg0: i32) -> (i32, i32) {
    %c0_i32 = arith.constant 0 : i32
    %c0_i32_0 = arith.constant 0 : i32
    %c0_i32_1 = arith.constant 0 : i32
    return %c0_i32, %c0_i32_0 : i32, i32
  }
  func.func @transform_3(%arg0: i32) -> (i32, i32) {
    %c0_i32 = arith.constant 0 : i32
    %c0_i32_0 = arith.constant 0 : i32
    %c0_i32_1 = arith.constant 0 : i32
    return %c0_i32, %c0_i32_0 : i32, i32
  }
  func.func @transform_4(%arg0: i32) -> (i32, i32) {
    %c0_i32 = arith.constant 0 : i32
    %c0_i32_0 = arith.constant 0 : i32
    return %arg0, %c0_i32 : i32, i32
  }
}

</mosaic_0001>

<sc_bundles>
// kernel: kernel.4.cloned.1.call-start
scs
__scs_entry_jumppad:
0x0: {  	(pc) =	sbr.rel $0x88, $3  }
0x1: {  	(tag) =	ssettag $0x0;
	lr =	simm.s32 $0x1  }
0x2: {  	[smem:$0x3F9D] =	sst lr;
	_ =	strace $0xD0000000  }
0x3: {  	_ = 	snop  }
0x4: {  	_ = 	snop  }
0x5: {  	_ = 	snop  }
0x6: {  	_ = 	snop  }
0x7: {  	_ = 	snop  }
__scs_overlays_trampoline_lowered:
0x8: {  	[smem:$0x3FAC] =	sst s0  }
0x9: {  	[smem:$0x3FAD] =	sst s1  }
0xa: {  	[smem:$0x3FAE] =	sst s2  }
0xb: {  	[smem:$0x3FAF] =	sst s3  }
0xc: {  	[smem:$0x3FB0] =	sst s4  }
0xd: {  	[smem:$0x3FB1] =	sst s5  }
0xe: {  	[smem:$0x3FB2] =	sst s6  }
0xf: {  	[smem:$0x3FB3] =	sst s7  }
0x10: {  	[smem:$0x3FB4] =	sst s8  }
0x11: {  	[smem:$0x3FB5] =	sst s9;
	s0 =	simm.s32 @!p0 $0x0  }
0x12: {  	s1 =	sld [smem:$0x3F9B];
	s0 =	simm.s32 @p0 $0x1  }
0x13: {  	[smem:$0x3FB6] =	sst s0;
	s0 =	simm.s32 @!p1 $0x0  }
0x14: {  	s2 =	sld [smem:$0x3F9A];
	s0 =	simm.s32 @p1 $0x1  }
0x15: {  	[smem:$0x3FB7] =	sst s0;
	s0 =	simm.s32 @!p2 $0x0  }
0x16: {  	s3 =	sld [smem:$0x3FDB];
	s0 =	simm.s32 @p2 $0x1  }
0x17: {  	s4 =	simm.s32 $0x1BF5;
	[smem:$0x3FB9] =	sst s0  }
0x18: {  	s0 =	sld [smem:$0x3F9C];
	_ =	swait.ge [sflag:s4], $0x0  }
0x19: {  	s7 =	sld [smem:$0x3F9D]  }
0x1a: {  	s8 =	sadd.s32 $0xFFFFE003, lr  }
0x1b: {  	s9 =	sadd.s32 $0xFFFFFEF7, lr;
	s5 =	simm.s32 $0xFFFFFFFF;
	p2 =	slt.u32 s8, $0xFFFFF086  }
0x1c: {  	p1 =	slt.u32 s9, $0xF7A;
	s5 =	simm.s32 @!p2 $0x0  }
0x1d: {  	s5 =	simm.s32 @p1 $0x1;
	p0 =	seq.s32 s7, s2  }
0x1e: {  	s7 =	smul.u32 @!p0 $0xF7A, s2;
	p2 =	seq.s32 @!p0 s5, $0x0  }
0x1f: {  	s9 =	smul.u32 $0xF7A, s1;
	s8 =	simm.s32 @!p0 $0x1BF5;
	p2 =	por !p2, p0  }
0x20: {  	[sflag:s8] =	ssyncset.s32 @!p0 $0xFFFFF086;
	s6 =	sadd.s32 @!p0 s3, s7;
	s7 =	simm.s32 @!p0 $0x108  }
0x21: {  	s3 =	sadd.s32 s3, s9;
	s6 =	sadd.s32 @!p0 $0x88, s6;
	s7 =	simm.s32 @p2 $0x1082  }
0x22: {  	[simem:s7], [sflag:s8] =	dma.local @!p0 [hbm:s6], $0xF7A  }
0x23: {  	s9 =	sor.u32 $0xD0000000, s2;
	s6 =	simm.s32 $0x108;
	_ =	swait.ge @!p0 [sflag:s8], $0x0  }
0x24: {  	s3 =	sadd.s32 $0x88, s3;
	s6 =	simm.s32 @!p1 $0x1082;
	[sflag:s4] =	ssyncset.s32 $0xFFFFF086  }
0x25: {  	[simem:s6], [sflag:s4] =	dma.local [hbm:s3], $0xF7A  }
0x26: {  	[smem:$0x3F9D] =	sst s1;
	(tag) =	ssettag s2;
	_ =	strace s9  }
0x27: {  	s1 =	sld [smem:$0x3FAD]  }
0x28: {  	s2 =	sld [smem:$0x3FAE]  }
0x29: {  	s4 =	sld [smem:$0x3FB0]  }
0x2a: {  	p0 =	seq.s32 s5, $0x0;
	s5 =	sld [smem:$0x3FB1]  }
0x2b: {  	s6 =	sld [smem:$0x3FB2]  }
0x2c: {  	s7 =	sld [smem:$0x3FB3]  }
0x2d: {  	s3 =	simm.s32 $0x108;
	s8 =	sld [smem:$0x3FB4]  }
0x2e: {  	s3 =	simm.s32 @!p0 $0x1082;
	s9 =	sld [smem:$0x3FB5]  }
0x2f: {  	lr =	sadd.s32 s0, s3;
	s0 =	sld [smem:$0x3FAC]  }
0x30: {  	s3 =	sld [smem:$0x3FAF]  }
0x31: {  	[smem:$0x3FB8] =	sst s10  }
0x32: {  	s10 =	sld [smem:$0x3FB6];
	_ =	sdelay $0x3  }
0x33: {  	p0 =	seq.s32 s10, $0x1;
	s10 =	sld [smem:$0x3FB8];
	_ =	sdelay $0x3  }
0x34: {  	[smem:$0x3FB8] =	sst s10  }
0x35: {  	s10 =	sld [smem:$0x3FB7];
	_ =	sdelay $0x3  }
0x36: {  	p1 =	seq.s32 s10, $0x1;
	s10 =	sld [smem:$0x3FB8];
	_ =	sdelay $0x3  }
0x37: {  	[smem:$0x3FB8] =	sst s10  }
0x38: {  	s10 =	sld [smem:$0x3FB9]  }
0x39: {  	_ = 	snop;
	(pc) =	sbr.ind lr, $3  }
0x3a: {  	_ = 	snop  }
0x3b: {  	_ = 	snop  }
0x3c: {  	p2 =	seq.s32 s10, $0x1;
	s10 =	sld [smem:$0x3FB8]  }
0x3d: {  	_ =	shalt  }
0x3e: {  	_ =	shalt  }
0x3f: {  	_ =	shalt  }
0x40: {  	_ =	shalt  }
0x41: {  	_ =	shalt  }
0x42: {  	_ =	shalt  }
0x43: {  	_ =	shalt  }
0x44: {  	_ =	shalt  }
0x45: {  	_ =	shalt  }
0x46: {  	_ =	shalt  }
0x47: {  	_ =	shalt  }
0x48: {  	_ =	shalt  }
0x49: {  	_ =	shalt  }
0x4a: {  	_ =	shalt  }
0x4b: {  	_ =	shalt  }
0x4c: {  	_ =	shalt  }
0x4d: {  	_ =	shalt  }
0x4e: {  	_ =	shalt  }
0x4f: {  	_ =	shalt  }
0x50: {  	_ =	shalt  }
0x51: {  	_ =	shalt  }
0x52: {  	_ =	shalt  }
0x53: {  	_ =	shalt  }
0x54: {  	_ =	shalt  }
0x55: {  	_ =	shalt  }
0x56: {  	_ =	shalt  }
0x57: {  	_ =	shalt  }
0x58: {  	_ =	shalt  }
0x59: {  	_ =	shalt  }
0x5a: {  	_ =	shalt  }
0x5b: {  	_ =	shalt  }
0x5c: {  	_ =	shalt  }
0x5d: {  	_ =	shalt  }
0x5e: {  	_ =	shalt  }
0x5f: {  	_ =	shalt  }
0x60: {  	_ =	shalt  }
0x61: {  	_ =	shalt  }
0x62: {  	_ =	shalt  }
0x63: {  	_ =	shalt  }
0x64: {  	_ =	shalt  }
0x65: {  	_ =	shalt  }
0x66: {  	_ =	shalt  }
0x67: {  	_ =	shalt  }
0x68: {  	_ =	shalt  }
0x69: {  	_ =	shalt  }
0x6a: {  	_ =	shalt  }
0x6b: {  	_ =	shalt  }
0x6c: {  	_ =	shalt  }
0x6d: {  	_ =	shalt  }
0x6e: {  	_ =	shalt  }
0x6f: {  	_ =	shalt  }
0x70: {  	_ =	shalt  }
0x71: {  	_ =	shalt  }
0x72: {  	_ =	shalt  }
0x73: {  	_ =	shalt  }
0x74: {  	_ =	shalt  }
0x75: {  	_ =	shalt  }
0x76: {  	_ =	shalt  }
0x77: {  	_ =	shalt  }
0x78: {  	_ =	shalt  }
0x79: {  	_ =	shalt  }
0x7a: {  	_ =	shalt  }
0x7b: {  	_ =	shalt  }
0x7c: {  	_ =	shalt  }
0x7d: {  	_ =	shalt  }
0x7e: {  	_ =	shalt  }
0x7f: {  	_ =	shalt  }
0x80: {  	_ =	shalt  }
0x81: {  	_ =	shalt  }
0x82: {  	_ =	shalt  }
0x83: {  	_ =	shalt  }
0x84: {  	_ =	shalt  }
0x85: {  	_ =	shalt  }
0x86: {  	_ =	shalt  }
0x87: {  	_ =	shalt  }
.Lfunc_end0:
.L_simem_size_0:
called_computation_lowered:
.L_overlay_start_0:
0x88: {  	s2 =	sld [smem:$0x3FD9]  }
0x89: {  	s3 =	sld [smem:$0x3FFE];
	_ =	sdelay $0x1  }
0x8a: {  	s1 =	srdreg.scid  }
0x8b: {  	s0 =	sand.u32 $0x1, s1  }
0x8c: {  	s16 =	sshll.u32 s0, $0xA;
	s2 =	sadd.s32 s3, s2  }
0x8d: {  	s2 =	sadd.s32 s2, s16  }
0x8e: {  	[smem:$0x3FC4] =	sst s2  }
0x8f: {  	_ = 	snop  }
0x90: {  	(tm) =	ssettm $0x1  }
0x91: {  	s17 =	sld [smem:$0x3FFB];
	_ =	sdelay $0x3  }
0x92: {  	_ =	strace s17  }
0x93: {  	s2 =	sld [smem:$0x3FFC];
	_ =	sdelay $0x3  }
0x94: {  	_ =	strace s2  }
0x95: {  	s2 =	sld [smem:$0x3FFD];
	_ =	sdelay $0x3  }
0x96: {  	_ =	strace s2  }
0x97: {  	_ =	strace $0x8FFFFFFF  }
0x98: {  	s18 =	sld [smem:$0x3FDB];
	_ =	sdelay $0x1  }
0x99: {  	s19 =	simm.s32 $_scs_section_size  }
0x9a: {  	s4 =	simm.s32 $_size__tile_overlayer_lowered;
	s5 =	simm.s32 $_tile_overlayer_lowered  }
0x9b: {  	s22 =	simm.s32 $0x1BFF;
	s21 =	sshll.u32 s5, $0x1;
	s2 =	sadd.s32 s19, s18  }
0x9c: {  	s6 =	simm.s32 $0x0;
	s20 =	sshll.u32 s4, $0x1;
	s4 =	sadd.s32 s21, s2  }
0x9d: {  	[timem:s6], [sflag:s22] =	dma.local [hbm:s4], s20  }
0x9e: {  	_ =	swait.ge [sflag:s22], s20  }
0x9f: {  	s3 =	ssub.s32 $0x0, s20;
	[sflag:s22] =	ssyncset.done $0x0  }
0xa0: {  	[sflag:s22] =	ssyncadd.s32 s3;
	_ =	sdelay $0x1  }
0xa1: {  	s23 =	simm.s32 $0x1B8B  }
0xa2: {  	_ =	swait.ge [sflag:s23], $0x1  }
0xa3: {  	[sflag:s23] =	ssyncset.done $0x0  }
0xa4: {  	s25 =	simm.s32 $0x1B8E;
	s24 =	sld [smem:$0x3FFE];
	[sflag:s23] =	ssyncadd.s32 $0xFFFFFFFF  }
0xa5: {  	s26 =	simm.s32 $execute0_lowered;
	[smem:$0x3FD2] =	sst s25  }
0xa6: {  	s4 =	sshll.u32 s26, $0x1;
	_ =	strace $0x80000046;
	[dreg:$0x1] =	wrdreg $0xFFFFFFFF  }
0xa7: {  	s28 =	simm.s32 $_size_execute0_lowered;
	s2 =	sadd.s32 s2, s4;
	[dreg:$0x0] =	wrdreg $0x0  }
0xa8: {  	s4 =	sshll.u32 s28, $0x1;
	[dreg:$0x2] =	wrdreg s2  }
0xa9: {  	[dreg:$0x3] =	wrdreg s4  }
0xaa: {  	[dreg:$0x4] =	wrdreg $0xC0  }
0xab: {  	_ =	task [dreg:s6], $0x5FFFF  }
0xac: {  	[dreg:$0x1] =	wrdreg $0xFFFFFFFF  }
0xad: {  	[dreg:$0x0] =	wrdreg $0x60  }
0xae: {  	[dreg:$0x2] =	wrdreg s24  }
0xaf: {  	[dreg:$0x3] =	wrdreg $0x9  }
0xb0: {  	_ =	task.clear_ibuf [dreg:s6], $0x4FFFF;
	_ =	strace $0x90000046  }
0xb1: {  	s29 =	simm.s32 $0x9;
	_ =	strace $0x80000048  }
0xb2: {  	_ =	swait.ge [sflag:s29], $0x1  }
0xb3: {  	[sflag:s29] =	ssyncadd.s32 $0xFFFFFFFF  }
0xb4: {  	_ =	strace $0x90000048  }
0xb5: {  	_ =	sfence  }
0xb6: {  	s30 =	sld [smem:$0x0];
	_ =	sdelay $0x2  }
0xb7: {  	s31 =	sshll.u32 s1, $0xD;
	s1 =	sshrl.u32 s1, $0x2  }
0xb8: {  	s3 =	sand.u32 $0x4000, s31;
	s1 =	sadd.s32 s1, s30  }
0xb9: {  	s0 =	sor.u32 s3, s0;
	s1 =	sshll.u32 s1, $0x11  }
0xba: {  	s0 =	sor.u32 s1, s0  }
0xbb: {  	s0 =	sadd.s32 $0x8F2B, s0  }
0xbc: {  	[sflag:s0] =	ssyncadd.remote.s32 $0x1  }
0xbd: {  	_ =	sfence.sel $0xFFFF  }
0xbe: {  	[dreg:$0x0] =	wrdreg $0xFFFFFFFF;
	(pc) =	sbr.abs _section_cstart, $3  }
0xbf: {  	[dreg:$0x1] =	wrdreg $0xFFFFFFFF  }
0xc0: {  	_ =	task.clear_ibuf [dreg:s6], $0x2FFFF;
	_ =	strace $0x9FFFFFFF  }
0xc1: {  	(tm) =	ssettm $0x7FFFFFFF  }
tec
execute0_lowered:
.L_overlay_start_1:
0x0: {  	(tag) =	ssettag $0x1  }
0x1: {  	v0 =	vimm.s32 $0xFEDCBA98;
	v1 =	vimm.s32 $0x76543210  }
0x2: {  	v2 =	vimm.s32 $0xBA98FEDC;
	v3 =	vimm.s32 $0x32107654;
	v4 =	vimm.s32 $0xDCFE98BA  }
0x3: {  	v5 =	vimm.s32 $0x54761032;
	v6 =	vimm.s32 $0xEFCDAB89;
	v7 =	vimm.s32 $0x67452301  }
0x4: {  	v0 =	vunpack.c.l.s4.s8 v0;
	v1 =	vunpack.c.l.s4.s8 v1;
	v2 =	vunpack.c.l.s4.s8 v2  }
0x5: {  	v3 =	vunpack.c.l.s4.s8 v3;
	v4 =	vunpack.c.l.s4.s8 v4;
	v5 =	vunpack.c.l.s4.s8 v5  }
0x6: {  	s4 =	rddreg [dreg:$0x0];
	v6 =	vunpack.c.l.s4.s8 v6;
	v7 =	vunpack.c.l.s4.s8 v7;
	v0 =	vunpack.c.0.s8.s32 v0  }
0x7: {  	s0 =	rddreg [dreg:$0x1];
	s1 =	simm.s32 $0x0;
	s2 =	srdreg.scid;
	v2 =	vunpack.c.0.s8.s32 v2;
	v3 =	vunpack.c.0.s8.s32 v3;
	v4 =	vunpack.c.0.s8.s32 v4  }
0x8: {  	s9 =	simm.s32 $0x8000;
	s10 =	simm.s32 $0x10000;
	s11 =	simm.s32 $0x0;
	v5 =	vunpack.c.0.s8.s32 v5;
	v6 =	vunpack.c.0.s8.s32 v6;
	v7 =	vunpack.c.0.s8.s32 v7  }
0x9: {  	vm0 =	vcmask $0x3F08;
	[smem:$0x7FF] =	sst s1;
	s6 =	sand.u32 $0x1, s2;
	s2 =	sadd.s32 $0x1200, s4;
	v1 =	vunpack.c.0.s8.s32 v1;
	v2 =	vcombine.low v3, v2  }
0xa: {  	s3 =	sadd.s32 $0x81200, s4;
	s5 =	sadd.s32 $0x101200, s4;
	s7 =	ssub.s32 $0x2, s6;
	v0 =	vand.u32 $0xF, v0;
	v3 =	vcombine.low v5, v4;
	v4 =	vcombine.low v7, v6  }
0xb: {  	vm1 =	vmmov $0x1;
	s4 =	stileid.u32;
	_ =	strace $0x80000047;
	s8 =	sshrl.u32 s7, $0x1;
	v0 =	vcombine.low v0, v1;
	v1 =	vand.u32 $0xF, v2  }
0xc: {  	s31 =	sshll.u32 s4, $0xF;
	s6 =	sshll.u32 s6, $0xE;
	s7 =	ssub.s32 s7, s8;
	v2 =	vand.u32 $0xF, v3;
	v3 =	vlaneseq.u32;
	v4 =	vand.u32 $0xF, v4  }
0xd: {  	s6 =	sor.u32 s6, s31;
	s8 =	simm.s32 $0x1;
	s7 =	smax.u32 s7, $0x1;
	v5 =	vor.u32 $0x30, v3;
	v6 =	vor.u32 $0x20, v3;
	v7 =	vor.u32 $0x10, v3  }
.LBB2_1:
0xe: {  	s12 =	simm.s32 $0x0  }
.LBB2_2:
0xf: {  	s13 =	sshll.u32 s12, $0xC  }
0x10: {  	s13 =	sadd.s32 s6, s13  }
0x11: {  	s15 =	simm.s32 $0x0;
	s14 =	sadd.s32 s2, s13  }
0x12: {  	[tilespmem:s15], [sflag:$0x1] =	stream.linear.gather [hbm4b:s14+s15], $0x8000, $0x38;
	[tilespmem:$0x18000] =	vst v63  }
0x13: {  	_ =	swait.ge [sflag:s8], $0x8000  }
0x14: {  	[sflag:s8] =	ssyncset.done $0x0  }
0x15: {  	s14 =	simm.s32 $0x0;
	[sflag:s8] =	ssyncadd.s32 $0xFFFF8000  }
0x16: {  	v9 =	vld [tilespmem:s14+$0x0]  }
0x17: {  	v10 =	vld [tilespmem:s14+$0x10]  }
0x18: {  	v11 =	vld [tilespmem:s14+$0x20]  }
0x19: {  	v12 =	vld [tilespmem:s14+$0x30];
	_ =	sdelay $0x2  }
0x1a: {  	v8 =	vmax.f32 v9, v10  }
0x1b: {  	v8 =	vmax.f32 v8, v11  }
0x1c: {  	v8 =	vmax.f32 v8, v12  }
0x1d: {  	v13 =	vperm.xlane v8, v0;
	_ =	sdelay $0x1  }
0x1e: {  	v8 =	vmax.f32 v8, v13  }
0x1f: {  	v13 =	vperm.xlane v8, v1;
	_ =	sdelay $0x1  }
0x20: {  	v8 =	vmax.f32 v8, v13  }
0x21: {  	v13 =	vperm.xlane v8, v2;
	_ =	sdelay $0x1  }
0x22: {  	v8 =	vmax.f32 v8, v13  }
0x23: {  	v13 =	vperm.xlane v8, v4;
	_ =	sdelay $0x1  }
0x24: {  	v14 =	vmax.f32 v8, v13  }
0x25: {  	vm2 =	veq.f32 v12, v14  }
0x26: {  	vm3 =	veq.f32 v11, v14;
	v8 =	vnsel vm2, $0x40, v5  }
0x27: {  	vm2 =	veq.f32 v10, v14;
	v8 =	vsel vm3, v6, v8  }
0x28: {  	vm3 =	veq.f32 v9, v14;
	v8 =	vsel vm2, v7, v8  }
0x29: {  	v8 =	vsel vm3, v3, v8  }
0x2a: {  	s15 =	simm.s32 $0x80;
	v13 =	vperm.xlane v8, v0  }
0x2b: {  	v15 =	vld [tilespmem:s15+$0x0]  }
0x2c: {  	v16 =	vld [tilespmem:s15+$0x10];
	vm2 =	vlt.s32 v8, v13  }
0x2d: {  	v17 =	vld [tilespmem:s15+$0x20];
	v8 =	vsel vm2, v8, v13  }
0x2e: {  	v19 =	vld [tilespmem:s15+$0x30];
	v13 =	vperm.xlane v8, v1;
	_ =	sdelay $0x1  }
0x2f: {  	vm2 =	vlt.s32 v8, v13  }
0x30: {  	v8 =	vsel vm2, v8, v13;
	v13 =	vmax.f32 v15, v16  }
0x31: {  	v18 =	vperm.xlane v8, v2;
	v13 =	vmax.f32 v13, v17  }
0x32: {  	v13 =	vmax.f32 v13, v19  }
0x33: {  	vm2 =	vlt.s32 v8, v18;
	v20 =	vperm.xlane v13, v0  }
0x34: {  	v8 =	vsel vm2, v8, v18  }
0x35: {  	v18 =	vperm.xlane v8, v4;
	v13 =	vmax.f32 v13, v20  }
0x36: {  	v20 =	vperm.xlane v13, v1  }
0x37: {  	vm2 =	vlt.s32 v8, v18  }
0x38: {  	v8 =	vsel vm2, v8, v18;
	v13 =	vmax.f32 v13, v20  }
0x39: {  	vm2 =	veq.s32 v8, v3;
	vm4 =	veq.s32 v8, v7;
	vm3 =	veq.s32 v8, v6  }
0x3a: {  	vm5 =	veq.s32 v8, v5;
	v9 =	vsel vm2, $0xFF61B1E6, v9;
	v18 =	vsel vm4, $0xFF61B1E6, v10  }
0x3b: {  	v20 =	vsel vm3, $0xFF61B1E6, v11;
	v11 =	vperm.xlane v13, v2;
	v10 =	vmax.f32 v9, v18  }
0x3c: {  	v21 =	vsel vm5, $0xFF61B1E6, v12;
	v10 =	vmax.f32 v10, v20  }
0x3d: {  	v11 =	vmax.f32 v13, v11;
	v10 =	vmax.f32 v10, v21  }
0x3e: {  	v13 =	vperm.xlane v11, v4;
	v12 =	vperm.xlane v10, v0;
	_ =	sdelay $0x1  }
0x3f: {  	v23 =	vmax.f32 v11, v13;
	v12 =	vmax.f32 v10, v12  }
0x40: {  	s16 =	simm.s32 $0x100;
	vm6 =	veq.f32 v19, v23;
	v13 =	vperm.xlane v12, v1  }
0x41: {  	v11 =	vld [tilespmem:s16+$0x10];
	vm7 =	veq.f32 v17, v23;
	v22 =	vnsel vm6, $0x40, v5  }
0x42: {  	v10 =	vld [tilespmem:s16+$0x0];
	vm6 =	veq.f32 v16, v23;
	v24 =	vmax.f32 v12, v13;
	v13 =	vsel vm7, v6, v22  }
0x43: {  	v12 =	vld [tilespmem:s16+$0x20];
	vm7 =	veq.f32 v15, v23;
	v22 =	vperm.xlane v24, v2;
	v25 =	vsel vm6, v7, v13  }
0x44: {  	v13 =	vld [tilespmem:s16+$0x30];
	v25 =	vsel vm7, v3, v25  }
0x45: {  	v22 =	vmax.f32 v24, v22;
	v24 =	vperm.xlane v25, v0  }
0x46: {  	v26 =	vperm.xlane v22, v4  }
0x47: {  	v27 =	vmax.f32 v10, v11;
	vm6 =	vlt.s32 v25, v24  }
0x48: {  	v27 =	vmax.f32 v27, v12;
	v22 =	vmax.f32 v22, v26;
	v24 =	vsel vm6, v25, v24  }
0x49: {  	v26 =	vmax.f32 v27, v13;
	v14 =	vsub.f32 v22, v14;
	v27 =	vperm.xlane v24, v1  }
0x4a: {  	v25 =	vperm.xlane v26, v0  }
0x4b: {  	v14 =	vmul.f32 $1.442695020e+00, v14;
	vm6 =	vlt.s32 v24, v27  }
0x4c: {  	v25 =	vmax.f32 v26, v25;
	v24 =	vsel vm6, v24, v27  }
0x4d: {  	vm6 =	veq.f32 v21, v22;
	(erf) = vpow2.f32 v14;
	v14 =	vperm.xlane v24, v2  }
0x4e: {  	vm8 =	veq.f32 v20, v22;
	v26 =	vperm.xlane v25, v1;
	v20 =	vnsel vm6, $0x40, v5  }
0x4f: {  	vm6 =	veq.f32 v18, v22;
	v18 =	vsel vm8, v6, v20;
	vm7 =	vlt.s32 v24, v14  }
0x50: {  	v14 =	vsel vm7, v24, v14;
	vm7 =	veq.f32 v9, v22;
	v9 =	vsel vm6, v7, v18  }
0x51: {  	v25 =	vmax.f32 v25, v26;
	v20 =	vperm.xlane v14, v4;
	v21 =	vsel vm7, v3, v9  }
0x52: {  	v18 =	vperm.xlane v25, v2;
	v22 =	vperm.xlane v21, v0  }
0x53: {  	vm13 =	vmmov vm4;
	vm6 =	vmmov vm3;
	vm4 =	vlt.s32 v14, v20  }
0x54: {  	v24 =	vmax.f32 v25, v18;
	v9 =	vsel vm4, v14, v20;
	vm4 =	vlt.s32 v21, v22  }
0x55: {  	vm7 =	vmmov vm5;
	v14 =	vperm.xlane v24, v4;
	v26 =	vsel vm4, v21, v22  }
0x56: {  	vm4 =	veq.s32 v9, v3;
	vm10 =	veq.s32 v9, v7;
	v20 =	vpop (erf);
	v27 =	vperm.xlane v26, v1  }
0x57: {  	v18 =	vsel vm4, $0xFF61B1E6, v15;
	v21 =	vsel vm10, $0xFF61B1E6, v16;
	v22 =	vadd.f32 $1.000000000e+00, v20  }
0x58: {  	vm5 =	veq.s32 v9, v5;
	vm3 =	veq.s32 v9, v6;
	v15 =	vmax.f32 v18, v21  }
0x59: {  	vm9 =	vlt.s32 v26, v27;
	(erf) = vrcp.f32 v22;
	v22 =	vsel vm3, $0xFF61B1E6, v17  }
0x5a: {  	v25 =	vsel vm5, $0xFF61B1E6, v19;
	v16 =	vsel vm9, v26, v27;
	v15 =	vmax.f32 v15, v22  }
0x5b: {  	v14 =	vmax.f32 v24, v14;
	v17 =	vperm.xlane v16, v2;
	v15 =	vmax.f32 v15, v25  }
0x5c: {  	vm8 =	vmmov vm13;
	vm11 =	veq.f32 v12, v14;
	v19 =	vperm.xlane v15, v0  }
0x5d: {  	vm14 =	veq.f32 v13, v14;
	vm9 =	vmmov vm2;
	vm12 =	vlt.s32 v16, v17  }
0x5e: {  	vm2 =	vmmov vm10;
	v24 =	vsel vm12, v16, v17;
	v15 =	vmax.f32 v15, v19  }
0x5f: {  	s17 =	simm.s32 $0x180;
	v17 =	vnsel vm14, $0x40, v5;
	v26 =	vperm.xlane v24, v4;
	v19 =	vperm.xlane v15, v1  }
0x60: {  	vm10 =	veq.f32 v10, v14;
	v16 =	vld [tilespmem:s17+$0x0];
	vm12 =	veq.f32 v11, v14;
	v27 =	vsel vm11, v6, v17  }
0x61: {  	v17 =	vld [tilespmem:s17+$0x10];
	v27 =	vsel vm12, v7, v27;
	vm15 =	vlt.s32 v24, v26;
	v28 =	vmax.f32 v15, v19  }
0x62: {  	v19 =	vld [tilespmem:s17+$0x20];
	v15 =	vsel vm15, v24, v26;
	v24 =	vsel vm10, v3, v27;
	v35 =	vpop (erf);
	v29 =	vperm.xlane v28, v2  }
0x63: {  	vm10 =	veq.s32 v15, v3;
	vm11 =	veq.s32 v15, v5;
	v31 =	vmul.f32 v35, v20;
	v20 =	vld [tilespmem:s17+$0x30]  }
0x64: {  	v27 =	vnsel vm7, $0x0, v35;
	vm7 =	veq.s32 v15, v7;
	v26 =	vmax.f32 v28, v29  }
0x65: {  	v29 =	vperm.xlane v24, v0;
	v28 =	vnsel vm11, $0x0, v31;
	v30 =	vperm.xlane v26, v4  }
0x66: {  	vm11 =	veq.s32 v15, v6;
	v27 =	vadd.f32 v28, v27;
	v28 =	vmax.f32 v16, v17  }
0x67: {  	vm12 =	vlt.s32 v24, v29;
	v28 =	vmax.f32 v28, v19;
	v30 =	vmax.f32 v26, v30  }
0x68: {  	v32 =	vsel vm12, v24, v29;
	v28 =	vmax.f32 v28, v20;
	v23 =	vsub.f32 v30, v23  }
0x69: {  	v26 =	vnsel vm10, $0x0, v31;
	v34 =	vperm.xlane v32, v1;
	v29 =	vperm.xlane v28, v0  }
0x6a: {  	v24 =	vnsel vm7, $0x0, v31;
	[tilespmem:s14+$0x8030] =	vst v27;
	v27 =	vnsel vm6, $0x0, v35;
	v36 =	vmul.f32 $1.442695020e+00, v23  }
0x6b: {  	v23 =	vnsel vm11, $0x0, v31;
	vm7 =	vlt.s32 v32, v34;
	v33 =	vmax.f32 v28, v29  }
0x6c: {  	v29 =	vnsel vm9, $0x0, v35;
	v31 =	vsel vm7, v32, v34;
	v34 =	vperm.xlane v33, v1  }
0x6d: {  	s18 =	simm.s32 $0x800;
	v28 =	vnsel vm8, $0x0, v35;
	(erf) = vpow2.f32 v36;
	v32 =	vperm.xlane v31, v2  }
.LBB2_3:
0x6e: {  	v33 =	vmax.f32 v33, v34;
	vm9 =	veq.f32 v25, v30;
	v25 =	vadd.f32 v26, v29  }
0x6f: {  	p0 =	sne.s32 s18, $0x1FE00;
	vm8 =	vmmov vm5;
	vm6 =	vmmov vm3;
	vm7 =	vmmov vm4  }
0x70: {  	vm4 =	veq.f32 v22, v30;
	vm3 =	vlt.s32 v31, v32;
	v22 =	vnsel vm9, $0x40, v5  }
0x71: {  	v26 =	vsel vm3, v31, v32;
	vm3 =	veq.f32 v21, v30;
	v21 =	vsel vm4, v6, v22;
	[tilespmem:s14+$0x8000] =	vst v25  }
0x72: {  	vm4 =	veq.f32 v18, v30;
	v22 =	vperm.xlane v26, v4;
	v18 =	vsel vm3, v7, v21  }
0x73: {  	v24 =	vadd.f32 v24, v28;
	v21 =	vperm.xlane v33, v2;
	v18 =	vsel vm4, v3, v18  }
0x74: {  	v23 =	vadd.f32 v23, v27;
	vm3 =	vlt.s32 v26, v22;
	v25 =	vperm.xlane v18, v0  }
0x75: {  	v15 =	vsel vm0, $0x0, v15;
	v27 =	vmax.f32 v33, v21;
	v26 =	vsel vm3, v26, v22;
	[tilespmem:s14+$0x8010] =	vst v24  }
0x76: {  	v24 =	vperm.xlane v27, v4;
	vm5 =	veq.s32 v26, v5;
	vm4 =	vlt.s32 v18, v25;
	v28 =	vpop (erf);
	[tilespmem:s14+$0x8020] =	vst v23  }
0x77: {  	vm3 =	veq.s32 v26, v6;
	v23 =	vsel vm4, v18, v25;
	v22 =	vadd.f32 $1.000000000e+00, v28  }
0x78: {  	vm10 =	veq.s32 v26, v7;
	vm4 =	veq.s32 v26, v3;
	v29 =	vperm.xlane v23, v1  }
0x79: {  	v21 =	vsel vm10, $0xFF61B1E6, v11;
	v11 =	vmovc v17;
	v18 =	vsel vm4, $0xFF61B1E6, v10;
	v10 =	vmovc v16;
	(erf) = vrcp.f32 v22  }
0x7a: {  	v22 =	vsel vm3, $0xFF61B1E6, v12;
	v16 =	vmax.f32 v18, v21;
	v12 =	vmovc v19;
	vm9 =	vlt.s32 v23, v29  }
0x7b: {  	v25 =	vsel vm5, $0xFF61B1E6, v13;
	v13 =	vmovc v20;
	v16 =	vmax.f32 v16, v22;
	v17 =	vsel vm9, v23, v29  }
0x7c: {  	v15 =	vsel vm1, v8, v15;
	v8 =	vmovc v9;
	v16 =	vmax.f32 v16, v25;
	v19 =	vperm.xlane v17, v2  }
0x7d: {  	v9 =	vmovc v26;
	v23 =	vmax.f32 v27, v24;
	vm9 =	vmmov vm2;
	v20 =	vperm.xlane v16, v0;
	[tilespmem:s14+$0x10000] =	vst v15;
	s14 =	smov.u32 s15;
	s15 =	smov.u32 s16;
	s16 =	smov.u32 s17  }
0x7e: {  	vm2 =	vmmov vm10;
	vm11 =	veq.f32 v12, v23;
	vm12 =	vlt.s32 v17, v19  }
0x7f: {  	vm10 =	veq.f32 v13, v23;
	v15 =	vmax.f32 v16, v20;
	v20 =	vsel vm12, v17, v19  }
0x80: {  	s17 =	sshra.s32 s18, $0x2;
	v17 =	vnsel vm10, $0x40, v5;
	v19 =	vperm.xlane v15, v1;
	v24 =	vperm.xlane v20, v4  }
0x81: {  	vm10 =	veq.f32 v10, v23;
	vm12 =	veq.f32 v11, v23;
	v26 =	vsel vm11, v6, v17;
	v16 =	vld [tilespmem:s17+$0x0]  }
0x82: {  	v26 =	vsel vm12, v7, v26;
	v27 =	vmax.f32 v15, v19;
	v17 =	vld [tilespmem:s17+$0x10];
	vm11 =	vlt.s32 v20, v24;
	v35 =	vpop (erf)  }
0x83: {  	v29 =	vperm.xlane v27, v2;
	v19 =	vld [tilespmem:s17+$0x20];
	v15 =	vsel vm11, v20, v24;
	v28 =	vmul.f32 v35, v28  }
0x84: {  	v24 =	vsel vm10, v3, v26;
	v20 =	vld [tilespmem:s17+$0x30];
	vm10 =	veq.s32 v15, v3;
	vm11 =	veq.s32 v15, v5  }
0x85: {  	v26 =	vmax.f32 v27, v29;
	v27 =	vnsel vm8, $0x0, v35;
	v29 =	vnsel vm11, $0x0, v28  }
0x86: {  	v31 =	vperm.xlane v24, v0;
	v30 =	vperm.xlane v26, v4;
	v27 =	vadd.f32 v29, v27  }
0x87: {  	vm8 =	veq.s32 v15, v7;
	vm11 =	veq.s32 v15, v6;
	v29 =	vmax.f32 v16, v17  }
0x88: {  	vm12 =	vlt.s32 v24, v31;
	v30 =	vmax.f32 v26, v30;
	v29 =	vmax.f32 v29, v19;
	[tilespmem:s14+$0x8030] =	vst v27  }
0x89: {  	v31 =	vsel vm12, v24, v31;
	v24 =	vsub.f32 v30, v14;
	v14 =	vmovc v23;
	v27 =	vmax.f32 v29, v20  }
.Ltmp0:
0x8a: {  	v26 =	vnsel vm10, $0x0, v28;
	v32 =	vperm.xlane v31, v1;
	v29 =	vperm.xlane v27, v0;
	(pc) =	sbr.rel @p0 .LBB2_3-.Ltmp0, $4  }
0x8b: {  	v23 =	vnsel vm11, $0x0, v28;
	v36 =	vmul.f32 $1.442695020e+00, v24;
	v24 =	vnsel vm8, $0x0, v28  }
0x8c: {  	vm8 =	vlt.s32 v31, v32;
	v33 =	vmax.f32 v27, v29;
	v29 =	vnsel vm7, $0x0, v35  }
0x8d: {  	v31 =	vsel vm8, v31, v32;
	v34 =	vperm.xlane v33, v1;
	(erf) = vpow2.f32 v36  }
0x8e: {  	s18 =	sadd.s32 $0x200, s18;
	v28 =	vnsel vm9, $0x0, v35;
	v32 =	vperm.xlane v31, v2;
	v27 =	vnsel vm6, $0x0, v35  }
0x8f: {  	v33 =	vmax.f32 v33, v34  }
0x90: {  	v34 =	vperm.xlane v33, v2;
	_ =	sdelay $0x1  }
0x91: {  	v33 =	vmax.f32 v33, v34  }
0x92: {  	v34 =	vperm.xlane v33, v4;
	_ =	sdelay $0x1  }
0x93: {  	vm6 =	veq.f32 v25, v30;
	v25 =	vmax.f32 v33, v34  }
0x94: {  	vm7 =	vlt.s32 v31, v32;
	vm9 =	veq.f32 v20, v25  }
0x95: {  	v50 =	vsel vm7, v31, v32;
	vm14 =	veq.f32 v19, v25;
	v51 =	vnsel vm9, $0x40, v5  }
0x96: {  	v32 =	vperm.xlane v50, v4;
	vm15 =	veq.f32 v17, v25;
	v31 =	vsel vm14, v6, v51  }
0x97: {  	vm8 =	veq.f32 v22, v30;
	vm12 =	veq.f32 v16, v25;
	v31 =	vsel vm15, v7, v31  }
0x98: {  	v52 =	vnsel vm6, $0x40, v5;
	vm13 =	vlt.s32 v50, v32;
	v31 =	vsel vm12, v3, v31  }
0x99: {  	vm7 =	veq.f32 v21, v30;
	v21 =	vsel vm13, v50, v32;
	v53 =	vperm.xlane v31, v0  }
0x9a: {  	vm6 =	veq.f32 v18, v30;
	vm11 =	veq.s32 v21, v5;
	vm10 =	veq.s32 v21, v3  }
0x9b: {  	vm9 =	veq.s32 v21, v6;
	vm12 =	veq.s32 v21, v7;
	vm14 =	vlt.s32 v31, v53  }
0x9c: {  	v54 =	vsel vm10, $0xFF61B1E6, v10;
	v11 =	vsel vm12, $0xFF61B1E6, v11;
	v55 =	vsel vm14, v31, v53  }
0x9d: {  	v12 =	vsel vm9, $0xFF61B1E6, v12;
	v56 =	vmax.f32 v54, v11;
	v57 =	vperm.xlane v55, v1  }
0x9e: {  	v33 =	vsel vm8, v6, v52;
	v13 =	vsel vm11, $0xFF61B1E6, v13;
	v22 =	vmax.f32 v56, v12  }
0x9f: {  	v58 =	vsel vm7, v7, v33;
	v22 =	vmax.f32 v22, v13;
	vm15 =	vlt.s32 v55, v57  }
0xa0: {  	v31 =	vsel vm6, v3, v58;
	v60 =	vperm.xlane v22, v0;
	v10 =	vsel vm15, v55, v57  }
0xa1: {  	v59 =	vperm.xlane v31, v0;
	v30 =	vperm.xlane v10, v2  }
0xa2: {  	vm5 =	vmmov vm5;
	v22 =	vmax.f32 v22, v60  }
0xa3: {  	v62 =	vpop (erf);
	vm13 =	vlt.s32 v31, v59;
	v61 =	vperm.xlane v22, v1;
	vm14 =	vlt.s32 v10, v30  }
0xa4: {  	v36 =	vadd.f32 $1.000000000e+00, v62;
	v31 =	vsel vm13, v31, v59;
	v10 =	vsel vm14, v10, v30  }
0xa5: {  	v63 =	vperm.xlane v31, v1;
	v22 =	vmax.f32 v22, v61;
	v37 =	vperm.xlane v10, v4  }
0xa6: {  	v26 =	vadd.f32 v26, v29;
	v24 =	vadd.f32 v24, v28;
	v35 =	vperm.xlane v22, v2  }
0xa7: {  	(erf) = vrcp.f32 v36;
	vm15 =	vlt.s32 v31, v63;
	vm13 =	vlt.s32 v10, v37  }
0xa8: {  	v38 =	vsel vm15, v31, v63;
	v22 =	vmax.f32 v22, v35;
	v10 =	vsel vm13, v10, v37  }
0xa9: {  	v39 =	vperm.xlane v22, v4;
	vm6 =	veq.s32 v10, v3;
	vm13 =	veq.s32 v10, v7  }
0xaa: {  	vm7 =	veq.s32 v10, v6;
	v40 =	vsel vm6, $0xFF61B1E6, v16;
	v41 =	vsel vm13, $0xFF61B1E6, v17  }
0xab: {  	vm8 =	veq.s32 v10, v5;
	v42 =	vsel vm7, $0xFF61B1E6, v19;
	v43 =	vmax.f32 v40, v41  }
0xac: {  	v22 =	vmax.f32 v22, v39;
	v44 =	vsel vm8, $0xFF61B1E6, v20;
	v45 =	vmax.f32 v43, v42  }
0xad: {  	v31 =	vperm.xlane v38, v2;
	v14 =	vsub.f32 v22, v14;
	v32 =	vmax.f32 v45, v44  }
0xae: {  	v23 =	vadd.f32 v23, v27;
	v15 =	vsel vm0, $0x0, v15;
	v46 =	vperm.xlane v32, v0  }
0xaf: {  	vm3 =	vmmov vm3;
	vm14 =	vlt.s32 v38, v31;
	v14 =	vmul.f32 $1.442695020e+00, v14  }
0xb0: {  	vm4 =	vmmov vm4;
	v30 =	vsel vm14, v38, v31;
	v31 =	vmax.f32 v32, v46  }
0xb1: {  	v8 =	vsel vm1, v8, v15;
	v48 =	vpop (erf);
	(erf) = vpow2.f32 v14;
	v49 =	vperm.xlane v31, v1  }
0xb2: {  	v33 =	vmul.f32 v48, v62;
	v50 =	vnsel vm5, $0x0, v48;
	v47 =	vperm.xlane v30, v4  }
0xb3: {  	v60 =	vnsel vm4, $0x0, v48;
	v62 =	vnsel vm3, $0x0, v48;
	v51 =	vmax.f32 v31, v49  }
0xb4: {  	vm5 =	veq.f32 v13, v22;
	vm14 =	vlt.s32 v30, v47;
	v14 =	vperm.xlane v51, v2  }
0xb5: {  	vm4 =	vmmov vm10;
	v52 =	vnsel vm5, $0x40, v5;
	v30 =	vsel vm14, v30, v47  }
0xb6: {  	vm14 =	veq.f32 v12, v22;
	vm5 =	veq.s32 v30, v3;
	v53 =	vmax.f32 v51, v14  }
0xb7: {  	v12 =	vsel vm14, v6, v52;
	vm14 =	veq.f32 v11, v22;
	v13 =	vperm.xlane v53, v4  }
0xb8: {  	v39 =	vsel vm0, $0x0, v30;
	v11 =	vsel vm14, v7, v12;
	vm14 =	veq.f32 v54, v22  }
0xb9: {  	v56 =	vnsel vm5, $0x0, v33;
	vm5 =	veq.s32 v30, v6;
	v12 =	vmax.f32 v53, v13  }
0xba: {  	v9 =	vsel vm1, v9, v39;
	v11 =	vsel vm14, v3, v11;
	v58 =	vpop (erf);
	v25 =	vsub.f32 v12, v25  }
0xbb: {  	vm14 =	veq.s32 v30, v5;
	v55 =	vperm.xlane v11, v0;
	v59 =	vadd.f32 $1.000000000e+00, v58  }
0xbc: {  	v54 =	vnsel vm14, $0x0, v33;
	vm14 =	veq.s32 v30, v7;
	v25 =	vmul.f32 $1.442695020e+00, v25  }
0xbd: {  	v57 =	vnsel vm14, $0x0, v33;
	vm14 =	vlt.s32 v11, v55;
	(erf) = vrcp.f32 v59  }
0xbe: {  	v15 =	vadd.f32 v56, v60;
	v11 =	vsel vm14, v11, v55;
	(erf) = vpow2.f32 v25  }
0xbf: {  	v33 =	vnsel vm5, $0x0, v33;
	vm5 =	vmmov vm11;
	v63 =	vperm.xlane v11, v1  }
0xc0: {  	vm14 =	vmmov vm2;
	vm2 =	vmmov vm12;
	vm3 =	veq.f32 v44, v12  }
0xc1: {  	vm15 =	veq.f32 v42, v12;
	v29 =	vnsel vm3, $0x40, v5;
	vm3 =	vlt.s32 v11, v63  }
0xc2: {  	vm12 =	veq.f32 v41, v12;
	v32 =	vsel vm15, v6, v29;
	v11 =	vsel vm3, v11, v63  }
0xc3: {  	vm3 =	veq.f32 v40, v12;
	v34 =	vsel vm12, v7, v32;
	v35 =	vperm.xlane v11, v2  }
0xc4: {  	v38 =	vadd.f32 v33, v62;
	v61 =	vnsel vm14, $0x0, v48;
	v12 =	vsel vm3, v3, v34  }
0xc5: {  	v14 =	vadd.f32 v54, v50;
	v36 =	vperm.xlane v12, v0;
	vm14 =	vlt.s32 v11, v35  }
0xc6: {  	v13 =	vadd.f32 v57, v61;
	vm3 =	vmmov vm9;
	v11 =	vsel vm14, v11, v35;
	v37 =	vpop (erf)  }
0xc7: {  	vm9 =	vmmov vm2;
	vm15 =	vlt.s32 v12, v36;
	v41 =	vperm.xlane v11, v4;
	v40 =	vpop (erf)  }
0xc8: {  	vm2 =	vmmov vm13;
	v12 =	vsel vm15, v12, v36;
	v42 =	vadd.f32 $1.000000000e+00, v40  }
0xc9: {  	vm2 =	vmmov vm2;
	v43 =	vperm.xlane v12, v1;
	vm12 =	vlt.s32 v11, v41  }
0xca: {  	v44 =	vmul.f32 v37, v58;
	v45 =	vnsel vm5, $0x0, v37;
	(erf) = vrcp.f32 v42  }
0xcb: {  	[tilespmem:s14+$0x8000] =	vst v26;
	v50 =	vnsel vm4, $0x0, v37;
	v51 =	vnsel vm9, $0x0, v37;
	vm10 =	vlt.s32 v12, v43  }
0xcc: {  	[tilespmem:s14+$0x8010] =	vst v24;
	v19 =	vnsel vm3, $0x0, v37;
	v11 =	vsel vm12, v11, v41;
	v12 =	vsel vm10, v12, v43  }
0xcd: {  	[tilespmem:s14+$0x8020] =	vst v23;
	vm3 =	vmmov vm8;
	vm11 =	veq.s32 v11, v3;
	v47 =	vperm.xlane v12, v2  }
0xce: {  	[tilespmem:s14+$0x10000] =	vst v8;
	vm12 =	veq.s32 v11, v5;
	vm13 =	veq.s32 v11, v7;
	vm14 =	veq.s32 v11, v6  }
0xcf: {  	[tilespmem:s15+$0x10000] =	vst v9;
	v55 =	vsel vm0, $0x0, v11;
	v46 =	vnsel vm12, $0x0, v44;
	vm15 =	vlt.s32 v12, v47  }
0xd0: {  	[tilespmem:s15+$0x8000] =	vst v15;
	v8 =	vnsel vm11, $0x0, v44;
	v48 =	vnsel vm13, $0x0, v44;
	v12 =	vsel vm15, v12, v47  }
0xd1: {  	[tilespmem:s15+$0x8020] =	vst v38;
	v49 =	vnsel vm14, $0x0, v44;
	vm11 =	vmmov vm7;
	v52 =	vperm.xlane v12, v4  }
0xd2: {  	[tilespmem:s15+$0x8030] =	vst v14;
	vm12 =	vmmov vm6;
	v9 =	vsel vm1, v21, v55;
	v20 =	vadd.f32 v46, v45  }
0xd3: {  	[tilespmem:s15+$0x8010] =	vst v13;
	v8 =	vadd.f32 v8, v50;
	v53 =	vadd.f32 v48, v51;
	vm13 =	vlt.s32 v12, v52;
	v54 =	vpop (erf)  }
0xd4: {  	v14 =	vadd.f32 v49, v19;
	[tilespmem:s16+$0x10000] =	vst v9;
	v56 =	vsel vm13, v12, v52;
	v57 =	vmul.f32 v54, v40  }
0xd5: {  	[tilespmem:s16+$0x8030] =	vst v20;
	vm6 =	veq.s32 v56, v5;
	vm14 =	veq.s32 v56, v7;
	vm15 =	veq.s32 v56, v6  }
0xd6: {  	[tilespmem:s16+$0x8000] =	vst v8;
	v8 =	vnsel vm3, $0x0, v54;
	vm3 =	veq.s32 v56, v3;
	v16 =	vnsel vm6, $0x0, v57  }
0xd7: {  	[tilespmem:s16+$0x8010] =	vst v53;
	v59 =	vnsel vm12, $0x0, v54;
	v58 =	vnsel vm3, $0x0, v57;
	v8 =	vadd.f32 v16, v8  }
0xd8: {  	[tilespmem:s16+$0x8020] =	vst v14;
	v61 =	vnsel vm2, $0x0, v54;
	v60 =	vnsel vm14, $0x0, v57;
	v13 =	vadd.f32 v58, v59  }
0xd9: {  	v62 =	vnsel vm11, $0x0, v54;
	v9 =	vadd.f32 v60, v61;
	[tilespmem:s17+$0x8030] =	vst v8;
	v8 =	vnsel vm15, $0x0, v57  }
0xda: {  	[tilespmem:s17+$0x8000] =	vst v13;
	v8 =	vadd.f32 v8, v62  }
0xdb: {  	v63 =	vsel vm0, $0x0, v56;
	[tilespmem:s17+$0x8010] =	vst v9  }
0xdc: {  	[tilespmem:s17+$0x8020] =	vst v8;
	v8 =	vsel vm1, v10, v63  }
0xdd: {  	s30 =	sadd.s32 s3, s13;
	[tilespmem:s17+$0x10000] =	vst v8  }
0xde: {  	[hbm4b:s30+s1] =	stream.linear.scatter [tilespmem:s9], [sflag:$0x1], $0x8000, $0x38;
	[tilespmem:$0x18000] =	vst v63  }
0xdf: {  	s12 =	sadd.s32 $0x1, s12;
	_ =	swait.ge [sflag:s8], $0x8000  }
0xe0: {  	p0 =	sne.s32 s12, $0x4;
	[sflag:s8] =	ssyncset.done $0x0  }
.Ltmp1:
0xe1: {  	s31 =	sadd.s32 s5, s13;
	[sflag:s8] =	ssyncadd.s32 $0xFFFF8000;
	(pc) =	sbr.rel @p0 .LBB2_2-.Ltmp1, $4  }
0xe2: {  	[hbm4b:s31+s1] =	stream.linear.scatter [tilespmem:s10], [sflag:$0x1], $0x8000, $0x38;
	[tilespmem:$0x18000] =	vst v63  }
0xe3: {  	_ =	swait.ge [sflag:s8], $0x8000  }
0xe4: {  	[sflag:s8] =	ssyncset.done $0x0  }
0xe5: {  	[sflag:s8] =	ssyncadd.s32 $0xFFFF8000  }
0xe6: {  	s11 =	sadd.s32 $0x1, s11  }
0xe7: {  	p0 =	sne.s32 s11, s7  }
.Ltmp2:
0xe8: {  	_ = 	snop;
	(pc) =	sbr.rel @p0 .LBB2_1-.Ltmp2, $1  }
0xe9: {  	_ =	sdelay $0x3  }
0xea: {  	_ =	sfence.sel $0x180000  }
0xeb: {  	[bflag:$0x0] =	sbarrier.arrive $0xFFFF  }
0xec: {  	p0 =	sne.s32 s4, $0x0;
	_ =	strace $0x90000047  }
0xed: {  	s0 =	sadd.s32 @!p0 $0x100000, s0;
	[bflag:$0x2] =	sbarrier.arrive $0xFFFF  }
0xee: {  	[sflag:s0] =	ssyncadd.tile.s32 @!p0 $0x1;
	_ =	shalt  }
.Lfunc_end2:
_tile_overlayer_lowered:
.L_overlay_start_2:
0xef: {  	(tag) =	ssettag $0x2  }
0xf0: {  	s0 =	rddreg [dreg:$0x0];
	s2 =	stileid.u32  }
0xf1: {  	s1 =	rddreg [dreg:$0x1];
	p0 =	sne.s32 s2, $0x0  }
0xf2: {  	s3 =	rddreg [dreg:$0x2];
	[bflag:$0x3] =	sbarrier.arrive $0xFFFF;
	s2 =	simm.s32 @!p0 $0x1C01  }
0xf3: {  	[timem:s3], [sflag:s2] =	dma.local @!p0 [hbm:s0], s1  }
0xf4: {  	s0 =	simm.s32 @!p0 $0x1  }
0xf5: {  	_ =	swait.ge @!p0 [sflag:s0], s1  }
0xf6: {  	s1 =	ssub.s32 @!p0 $0x0, s1;
	[sflag:s0] =	ssyncset.done @!p0 $0x0  }
0xf7: {  	[sflag:s0] =	ssyncadd.s32 @!p0 s1  }
0xf8: {  	[bflag:$0x3] =	sbarrier.arrive $0xFFFF  }
0xf9: {  	_ =	shalt  }

</sc_bundles>
